<compile_context>
chip_gen: v7x
topology: tpu7x:2x2x1
jax: 0.10.2.dev20260603
libtpu: 0.0.44.dev20260713+nightly
codegen_flags: <defaults>
</compile_context>

<pallas_src>
import jax
import jax.numpy as jnp
from jax import lax
from jax.experimental import pallas as pl
from jax.experimental.pallas import tpu as pltpu
from jax.experimental.pallas import tpu_sc as plsc

N_SENT = 4096
S = 50
D = 128
NC, NS = 2, 16
NW = NC * NS
B_ROWS = N_SENT * S
B_PER_W = B_ROWS // NW
C = 80
NCHUNK = B_PER_W // C
NBUF = 10
DIST = 7


def _emb_body(idx_hbm, table_hbm, out_hbm, idx_v, *rest):
    wid = lax.axis_index("s") * NC + lax.axis_index("c")
    pltpu.sync_copy(idx_hbm.at[wid], idx_v)
    row_base = wid * B_PER_W

    bufs = rest[:NBUF]
    gsems = rest[NBUF:2 * NBUF]
    osems = rest[2 * NBUF:3 * NBUF]

    def gather(c, b):
        pltpu.async_copy(table_hbm.at[idx_v.at[c]], bufs[b], gsems[b])

    def wait_gather(c, b):
        pltpu.make_async_copy(table_hbm.at[idx_v.at[c]], bufs[b], gsems[b]).wait()

    def store(c, b):
        pltpu.async_copy(
            bufs[b], out_hbm.at[pl.ds(row_base + c * C, C)], osems[b]
        )

    def wait_store(b):
        pltpu.make_async_copy(
            bufs[b], out_hbm.at[pl.ds(0, C)], osems[b]
        ).wait()

    for b in range(DIST):
        gather(b, b)

    NG = NCHUNK // NBUF

    def body(g, carry):
        for b in range(NBUF):
            c = g * NBUF + b
            wait_gather(c, b)
            store(c, b)
            bw = (b + DIST) % NBUF
            if b >= NBUF - DIST:
                wait_store(bw)
            else:
                @pl.when(g >= 1)
                def _():
                    wait_store(bw)
            if b < NBUF - DIST:
                gather(c + DIST, bw)
            else:
                @pl.when(g < NG - 1)
                def _():
                    gather(c + DIST, bw)
        return carry

    lax.fori_loop(0, NG, body, 0)
    for b in range(DIST, NBUF):
        wait_store(b)


def _run(idx_grp, table):
    f = pl.kernel(
        _emb_body,
        out_type=jax.ShapeDtypeStruct((B_ROWS, D), jnp.float32),
        mesh=plsc.VectorSubcoreMesh(core_axis_name="c", subcore_axis_name="s"),
        scratch_types=(
            [pltpu.VMEM((NCHUNK, C), jnp.int32)]
            + [pltpu.VMEM((C, D), jnp.float32)] * NBUF
            + [pltpu.SemaphoreType.DMA] * (2 * NBUF)
        ),
    )
    return f(idx_grp, table)


def kernel(idx, emb_weight):
    idx_grp = idx.astype(jnp.int32).T.reshape(NW, NCHUNK, C)
    out = _run(idx_grp, emb_weight)
    return out.reshape(S, N_SENT, D).transpose(1, 0, 2)

# --- scband reference (transcript-rebuilt; emitter-appended) ---
"""Pipeline reference for scband-token-embedding-62234076119368 (READ-ONLY COPY).

The authoritative reference and input builder live on the scoring server;
editing this copy changes nothing except your own understanding.
"""

import jax, jax.numpy as jnp
import numpy as np


def setup_inputs(seed: int = 0) -> dict:
    key = jax.random.key(seed)
    k_idx, k_emb = jax.random.split(key)
    idx = jax.random.randint(k_idx, (4096, 50), 0, 100000, dtype=jnp.int64)
    emb_weight = jax.random.normal(k_emb, (100000, 128), dtype=jnp.float32)
    return {"idx": idx, "emb_weight": emb_weight}


def reference(idx, emb_weight):
    # nn.Embedding forward: simple row gather from the embedding table
    return jnp.take(emb_weight, idx, axis=0)

if __name__ == "__main__":
    import jax
    _d = setup_inputs()
    print(jax.jit(kernel)(*tuple(_d.values())))

</pallas_src>

<mosaic_0001>
#map = affine_map<(d0, d1) -> (0, 0, 0)>
#map1 = affine_map<(d0, d1) -> (0, 0)>
module attributes {stable_mosaic.version = 14 : i64} {
  func.func @_emb_body(%arg0: i32, %arg1: i32, %arg2: memref<32x80x80xi32, #tpu.memory_space<hbm>>, %arg3: memref<100000x128xf32, #tpu.memory_space<hbm>>, %arg4: memref<204800x128xf32, #tpu.memory_space<hbm>>, %arg5: memref<80x80xi32, #tpu.memory_space<vmem>>, %arg6: memref<80x128xf32, #tpu.memory_space<vmem>>, %arg7: memref<80x128xf32, #tpu.memory_space<vmem>>, %arg8: memref<80x128xf32, #tpu.memory_space<vmem>>, %arg9: memref<80x128xf32, #tpu.memory_space<vmem>>, %arg10: memref<80x128xf32, #tpu.memory_space<vmem>>, %arg11: memref<80x128xf32, #tpu.memory_space<vmem>>, %arg12: memref<80x128xf32, #tpu.memory_space<vmem>>, %arg13: memref<80x128xf32, #tpu.memory_space<vmem>>, %arg14: memref<80x128xf32, #tpu.memory_space<vmem>>, %arg15: memref<80x128xf32, #tpu.memory_space<vmem>>, %arg16: memref<!tpu.dma_semaphore, #tpu.memory_space<semaphore_mem>>, %arg17: memref<!tpu.dma_semaphore, #tpu.memory_space<semaphore_mem>>, %arg18: memref<!tpu.dma_semaphore, #tpu.memory_space<semaphore_mem>>, %arg19: memref<!tpu.dma_semaphore, #tpu.memory_space<semaphore_mem>>, %arg20: memref<!tpu.dma_semaphore, #tpu.memory_space<semaphore_mem>>, %arg21: memref<!tpu.dma_semaphore, #tpu.memory_space<semaphore_mem>>, %arg22: memref<!tpu.dma_semaphore, #tpu.memory_space<semaphore_mem>>, %arg23: memref<!tpu.dma_semaphore, #tpu.memory_space<semaphore_mem>>, %arg24: memref<!tpu.dma_semaphore, #tpu.memory_space<semaphore_mem>>, %arg25: memref<!tpu.dma_semaphore, #tpu.memory_space<semaphore_mem>>, %arg26: memref<!tpu.dma_semaphore, #tpu.memory_space<semaphore_mem>>, %arg27: memref<!tpu.dma_semaphore, #tpu.memory_space<semaphore_mem>>, %arg28: memref<!tpu.dma_semaphore, #tpu.memory_space<semaphore_mem>>, %arg29: memref<!tpu.dma_semaphore, #tpu.memory_space<semaphore_mem>>, %arg30: memref<!tpu.dma_semaphore, #tpu.memory_space<semaphore_mem>>, %arg31: memref<!tpu.dma_semaphore, #tpu.memory_space<semaphore_mem>>, %arg32: memref<!tpu.dma_semaphore, #tpu.memory_space<semaphore_mem>>, %arg33: memref<!tpu.dma_semaphore, #tpu.memory_space<semaphore_mem>>, %arg34: memref<!tpu.dma_semaphore, #tpu.memory_space<semaphore_mem>>, %arg35: memref<!tpu.dma_semaphore, #tpu.memory_space<semaphore_mem>>) attributes {dimension_semantics = [#tpu.dimension_semantics<core_parallel>, #tpu.dimension_semantics<subcore_parallel>], iteration_bounds = array<i64: 2, 16>, scalar_prefetch = 0 : i64, scratch_operands = 31 : i64, tpu.core_type = #tpu.core_type<sc_vector_subcore>, window_params = [{transform_indices = #map}, {transform_indices = #map1}, {transform_indices = #map1}]} {
    %mul3A = arith.constant 2 : i32
    %mul3A_0 = arith.muli %arg1, %mul3A : i32
    %add3A = arith.addi %mul3A_0, %arg0 : i32
    "tpu.region"() ({
      %run_scoped3A = tpu.sem_alloc : memref<!tpu.dma_semaphore, #tpu.memory_space<semaphore_mem>>
      %dma_start3A_73 = arith.constant 0 : i32
      %dma_start3A_74 = arith.constant 0 : i32
      %dma_start3A_75 = tpu.memref_slice %arg2[%add3A, %dma_start3A_73, %dma_start3A_74] : memref<32x80x80xi32, #tpu.memory_space<hbm>> -> memref<1x80x80xi32, #tpu.memory_space<hbm>>
      %dma_start3A_76 = tpu.memref_squeeze %dma_start3A_75 : memref<1x80x80xi32, #tpu.memory_space<hbm>> -> memref<80x80xi32, #tpu.memory_space<hbm>>
      %dma_start3A_77 = arith.constant 0 : i32
      %dma_start3A_78 = arith.constant 0 : i32
      %dma_start3A_79 = tpu.memref_slice %arg2[%add3A, %dma_start3A_77, %dma_start3A_78] : memref<32x80x80xi32, #tpu.memory_space<hbm>> -> memref<1x80x80xi32, #tpu.memory_space<hbm>>
      %dma_start3A_80 = tpu.memref_squeeze %dma_start3A_79 : memref<1x80x80xi32, #tpu.memory_space<hbm>> -> memref<80x80xi32, #tpu.memory_space<hbm>>
      tpu.enqueue_dma source(%dma_start3A_80 : memref<80x80xi32, #tpu.memory_space<hbm>>) target(%arg5 : memref<80x80xi32, #tpu.memory_space<vmem>>) target_semaphore(%run_scoped3A : memref<!tpu.dma_semaphore, #tpu.memory_space<semaphore_mem>>)
      %dma_wait3A_81 = arith.constant 0 : i32
      %dma_wait3A_82 = arith.constant 0 : i32
      %dma_wait3A_83 = tpu.memref_slice %arg2[%add3A, %dma_wait3A_81, %dma_wait3A_82] : memref<32x80x80xi32, #tpu.memory_space<hbm>> -> memref<1x80x80xi32, #tpu.memory_space<hbm>>
      %dma_wait3A_84 = tpu.memref_squeeze %dma_wait3A_83 : memref<1x80x80xi32, #tpu.memory_space<hbm>> -> memref<80x80xi32, #tpu.memory_space<hbm>>
      %dma_wait3A_85 = arith.constant 0 : i32
      %dma_wait3A_86 = arith.constant 0 : i32
      %dma_wait3A_87 = tpu.memref_slice %arg2[%add3A, %dma_wait3A_85, %dma_wait3A_86] : memref<32x80x80xi32, #tpu.memory_space<hbm>> -> memref<1x80x80xi32, #tpu.memory_space<hbm>>
      %dma_wait3A_88 = tpu.memref_squeeze %dma_wait3A_87 : memref<1x80x80xi32, #tpu.memory_space<hbm>> -> memref<80x80xi32, #tpu.memory_space<hbm>>
      tpu.wait_dma2 semaphore(%run_scoped3A : memref<!tpu.dma_semaphore, #tpu.memory_space<semaphore_mem>>) src(%dma_wait3A_88 : memref<80x80xi32, #tpu.memory_space<hbm>>) dst(%arg5 : memref<80x80xi32, #tpu.memory_space<vmem>>)
      tpu.yield
    }) : () -> ()
    %mul3A_1 = arith.constant 6400 : i32
    %mul3A_2 = arith.muli %add3A, %mul3A_1 : i32
    %dma_start3A = arith.constant 0 : i32
    %dma_start3A_3 = arith.constant 0 : i32
    %dma_start3A_4 = tpu.memref_slice %arg5[%dma_start3A, %dma_start3A_3] : memref<80x80xi32, #tpu.memory_space<vmem>> -> memref<1x80xi32, #tpu.memory_space<vmem>>
    %dma_start3A_5 = tpu.memref_squeeze %dma_start3A_4 : memref<1x80xi32, #tpu.memory_space<vmem>> -> memref<80xi32, #tpu.memory_space<vmem>>
    %dma_start3A_6 = arith.constant 0 : i32
    %dma_start3A_7 = arith.constant 0 : i32
    %dma_start3A_8 = tpu.memref_slice %arg3[%dma_start3A_6, %dma_start3A_7] : memref<100000x128xf32, #tpu.memory_space<hbm>> -> memref<100000x128xf32, #tpu.memory_space<hbm>>
    tpu.enqueue_indirect_dma source(%dma_start3A_8 : memref<100000x128xf32, #tpu.memory_space<hbm>>) target(%arg6 : memref<80x128xf32, #tpu.memory_space<vmem>>) offsets(%dma_start3A_5 : memref<80xi32, #tpu.memory_space<vmem>>) semaphore(%arg16 : memref<!tpu.dma_semaphore, #tpu.memory_space<semaphore_mem>>)
    %dma_start3A_9 = arith.constant 1 : i32
    %dma_start3A_10 = arith.constant 0 : i32
    %dma_start3A_11 = tpu.memref_slice %arg5[%dma_start3A_9, %dma_start3A_10] : memref<80x80xi32, #tpu.memory_space<vmem>> -> memref<1x80xi32, #tpu.memory_space<vmem>>
    %dma_start3A_12 = tpu.memref_squeeze %dma_start3A_11 : memref<1x80xi32, #tpu.memory_space<vmem>> -> memref<80xi32, #tpu.memory_space<vmem>>
    %dma_start3A_13 = arith.constant 0 : i32
    %dma_start3A_14 = arith.constant 0 : i32
    %dma_start3A_15 = tpu.memref_slice %arg3[%dma_start3A_13, %dma_start3A_14] : memref<100000x128xf32, #tpu.memory_space<hbm>> -> memref<100000x128xf32, #tpu.memory_space<hbm>>
    tpu.enqueue_indirect_dma source(%dma_start3A_15 : memref<100000x128xf32, #tpu.memory_space<hbm>>) target(%arg7 : memref<80x128xf32, #tpu.memory_space<vmem>>) offsets(%dma_start3A_12 : memref<80xi32, #tpu.memory_space<vmem>>) semaphore(%arg17 : memref<!tpu.dma_semaphore, #tpu.memory_space<semaphore_mem>>)
    %dma_start3A_16 = arith.constant 2 : i32
    %dma_start3A_17 = arith.constant 0 : i32
    %dma_start3A_18 = tpu.memref_slice %arg5[%dma_start3A_16, %dma_start3A_17] : memref<80x80xi32, #tpu.memory_space<vmem>> -> memref<1x80xi32, #tpu.memory_space<vmem>>
    %dma_start3A_19 = tpu.memref_squeeze %dma_start3A_18 : memref<1x80xi32, #tpu.memory_space<vmem>> -> memref<80xi32, #tpu.memory_space<vmem>>
    %dma_start3A_20 = arith.constant 0 : i32
    %dma_start3A_21 = arith.constant 0 : i32
    %dma_start3A_22 = tpu.memref_slice %arg3[%dma_start3A_20, %dma_start3A_21] : memref<100000x128xf32, #tpu.memory_space<hbm>> -> memref<100000x128xf32, #tpu.memory_space<hbm>>
    tpu.enqueue_indirect_dma source(%dma_start3A_22 : memref<100000x128xf32, #tpu.memory_space<hbm>>) target(%arg8 : memref<80x128xf32, #tpu.memory_space<vmem>>) offsets(%dma_start3A_19 : memref<80xi32, #tpu.memory_space<vmem>>) semaphore(%arg18 : memref<!tpu.dma_semaphore, #tpu.memory_space<semaphore_mem>>)
    %dma_start3A_23 = arith.constant 3 : i32
    %dma_start3A_24 = arith.constant 0 : i32
    %dma_start3A_25 = tpu.memref_slice %arg5[%dma_start3A_23, %dma_start3A_24] : memref<80x80xi32, #tpu.memory_space<vmem>> -> memref<1x80xi32, #tpu.memory_space<vmem>>
    %dma_start3A_26 = tpu.memref_squeeze %dma_start3A_25 : memref<1x80xi32, #tpu.memory_space<vmem>> -> memref<80xi32, #tpu.memory_space<vmem>>
    %dma_start3A_27 = arith.constant 0 : i32
    %dma_start3A_28 = arith.constant 0 : i32
    %dma_start3A_29 = tpu.memref_slice %arg3[%dma_start3A_27, %dma_start3A_28] : memref<100000x128xf32, #tpu.memory_space<hbm>> -> memref<100000x128xf32, #tpu.memory_space<hbm>>
    tpu.enqueue_indirect_dma source(%dma_start3A_29 : memref<100000x128xf32, #tpu.memory_space<hbm>>) target(%arg9 : memref<80x128xf32, #tpu.memory_space<vmem>>) offsets(%dma_start3A_26 : memref<80xi32, #tpu.memory_space<vmem>>) semaphore(%arg19 : memref<!tpu.dma_semaphore, #tpu.memory_space<semaphore_mem>>)
    %dma_start3A_30 = arith.constant 4 : i32
    %dma_start3A_31 = arith.constant 0 : i32
    %dma_start3A_32 = tpu.memref_slice %arg5[%dma_start3A_30, %dma_start3A_31] : memref<80x80xi32, #tpu.memory_space<vmem>> -> memref<1x80xi32, #tpu.memory_space<vmem>>
    %dma_start3A_33 = tpu.memref_squeeze %dma_start3A_32 : memref<1x80xi32, #tpu.memory_space<vmem>> -> memref<80xi32, #tpu.memory_space<vmem>>
    %dma_start3A_34 = arith.constant 0 : i32
    %dma_start3A_35 = arith.constant 0 : i32
    %dma_start3A_36 = tpu.memref_slice %arg3[%dma_start3A_34, %dma_start3A_35] : memref<100000x128xf32, #tpu.memory_space<hbm>> -> memref<100000x128xf32, #tpu.memory_space<hbm>>
    tpu.enqueue_indirect_dma source(%dma_start3A_36 : memref<100000x128xf32, #tpu.memory_space<hbm>>) target(%arg10 : memref<80x128xf32, #tpu.memory_space<vmem>>) offsets(%dma_start3A_33 : memref<80xi32, #tpu.memory_space<vmem>>) semaphore(%arg20 : memref<!tpu.dma_semaphore, #tpu.memory_space<semaphore_mem>>)
    %dma_start3A_37 = arith.constant 5 : i32
    %dma_start3A_38 = arith.constant 0 : i32
    %dma_start3A_39 = tpu.memref_slice %arg5[%dma_start3A_37, %dma_start3A_38] : memref<80x80xi32, #tpu.memory_space<vmem>> -> memref<1x80xi32, #tpu.memory_space<vmem>>
    %dma_start3A_40 = tpu.memref_squeeze %dma_start3A_39 : memref<1x80xi32, #tpu.memory_space<vmem>> -> memref<80xi32, #tpu.memory_space<vmem>>
    %dma_start3A_41 = arith.constant 0 : i32
    %dma_start3A_42 = arith.constant 0 : i32
    %dma_start3A_43 = tpu.memref_slice %arg3[%dma_start3A_41, %dma_start3A_42] : memref<100000x128xf32, #tpu.memory_space<hbm>> -> memref<100000x128xf32, #tpu.memory_space<hbm>>
    tpu.enqueue_indirect_dma source(%dma_start3A_43 : memref<100000x128xf32, #tpu.memory_space<hbm>>) target(%arg11 : memref<80x128xf32, #tpu.memory_space<vmem>>) offsets(%dma_start3A_40 : memref<80xi32, #tpu.memory_space<vmem>>) semaphore(%arg21 : memref<!tpu.dma_semaphore, #tpu.memory_space<semaphore_mem>>)
    %dma_start3A_44 = arith.constant 6 : i32
    %dma_start3A_45 = arith.constant 0 : i32
    %dma_start3A_46 = tpu.memref_slice %arg5[%dma_start3A_44, %dma_start3A_45] : memref<80x80xi32, #tpu.memory_space<vmem>> -> memref<1x80xi32, #tpu.memory_space<vmem>>
    %dma_start3A_47 = tpu.memref_squeeze %dma_start3A_46 : memref<1x80xi32, #tpu.memory_space<vmem>> -> memref<80xi32, #tpu.memory_space<vmem>>
    %dma_start3A_48 = arith.constant 0 : i32
    %dma_start3A_49 = arith.constant 0 : i32
    %dma_start3A_50 = tpu.memref_slice %arg3[%dma_start3A_48, %dma_start3A_49] : memref<100000x128xf32, #tpu.memory_space<hbm>> -> memref<100000x128xf32, #tpu.memory_space<hbm>>
    tpu.enqueue_indirect_dma source(%dma_start3A_50 : memref<100000x128xf32, #tpu.memory_space<hbm>>) target(%arg12 : memref<80x128xf32, #tpu.memory_space<vmem>>) offsets(%dma_start3A_47 : memref<80xi32, #tpu.memory_space<vmem>>) semaphore(%arg22 : memref<!tpu.dma_semaphore, #tpu.memory_space<semaphore_mem>>)
    %scan3A = arith.constant 0 : i32
    %scan3A_51 = arith.constant 0 : i32
    %scan3A_52 = arith.constant 8 : i32
    %scan3A_53 = arith.addi %scan3A_51, %scan3A_52 : i32
    %scan3A_54 = arith.constant 1 : i32
    scf.for %scan3A_73 = %scan3A_51 to %scan3A_53 step %scan3A_54  : i32 {
      %mul3A_74 = arith.constant 10 : i32
      %mul3A_75 = arith.muli %scan3A_73, %mul3A_74 : i32
      %add3A_76 = arith.constant 0 : i32
      %add3A_77 = arith.addi %mul3A_75, %add3A_76 : i32
      %dma_wait3A_78 = arith.constant 0 : i32
      %dma_wait3A_79 = tpu.memref_slice %arg5[%add3A_77, %dma_wait3A_78] : memref<80x80xi32, #tpu.memory_space<vmem>> -> memref<1x80xi32, #tpu.memory_space<vmem>>
      %dma_wait3A_80 = tpu.memref_squeeze %dma_wait3A_79 : memref<1x80xi32, #tpu.memory_space<vmem>> -> memref<80xi32, #tpu.memory_space<vmem>>
      %dma_wait3A_81 = arith.constant 0 : i32
      %dma_wait3A_82 = arith.constant 0 : i32
      %dma_wait3A_83 = tpu.memref_slice %arg3[%dma_wait3A_81, %dma_wait3A_82] : memref<100000x128xf32, #tpu.memory_space<hbm>> -> memref<100000x128xf32, #tpu.memory_space<hbm>>
      tpu.wait_indirect_dma semaphore(%arg16 : memref<!tpu.dma_semaphore, #tpu.memory_space<semaphore_mem>>) src(%dma_wait3A_83 : memref<100000x128xf32, #tpu.memory_space<hbm>>) dst(%arg6 : memref<80x128xf32, #tpu.memory_space<vmem>>)
      %mul3A_84 = arith.constant 80 : i32
      %mul3A_85 = arith.muli %add3A_77, %mul3A_84 : i32
      %add3A_86 = arith.addi %mul3A_2, %mul3A_85 : i32
      %dma_start3A_87 = arith.constant 0 : i32
      %dma_start3A_88 = tpu.memref_slice %arg4[%add3A_86, %dma_start3A_87] : memref<204800x128xf32, #tpu.memory_space<hbm>> -> memref<80x128xf32, #tpu.memory_space<hbm>>
      %dma_start3A_89 = arith.constant 0 : i32
      %dma_start3A_90 = tpu.memref_slice %arg4[%add3A_86, %dma_start3A_89] : memref<204800x128xf32, #tpu.memory_space<hbm>> -> memref<80x128xf32, #tpu.memory_space<hbm>>
      tpu.enqueue_dma source(%arg6 : memref<80x128xf32, #tpu.memory_space<vmem>>) target(%dma_start3A_90 : memref<80x128xf32, #tpu.memory_space<hbm>>) target_semaphore(%arg26 : memref<!tpu.dma_semaphore, #tpu.memory_space<semaphore_mem>>)
      %ge3A = arith.constant 1 : i32
      %ge3A_91 = arith.cmpi sge, %scan3A_73, %ge3A : i32
      %convert_element_type3A = arith.extui %ge3A_91 : i1 to i32
      %cond3A = arith.constant 0 : i32
      %cond3A_92 = arith.cmpi ne, %convert_element_type3A, %cond3A : i32
      scf.if %cond3A_92 {
        %dma_wait3A_356 = arith.constant 0 : i32
        %dma_wait3A_357 = arith.constant 0 : i32
        %dma_wait3A_358 = tpu.memref_slice %arg4[%dma_wait3A_356, %dma_wait3A_357] : memref<204800x128xf32, #tpu.memory_space<hbm>> -> memref<80x128xf32, #tpu.memory_space<hbm>>
        %dma_wait3A_359 = arith.constant 0 : i32
        %dma_wait3A_360 = arith.constant 0 : i32
        %dma_wait3A_361 = tpu.memref_slice %arg4[%dma_wait3A_359, %dma_wait3A_360] : memref<204800x128xf32, #tpu.memory_space<hbm>> -> memref<80x128xf32, #tpu.memory_space<hbm>>
        tpu.wait_dma2 semaphore(%arg33 : memref<!tpu.dma_semaphore, #tpu.memory_space<semaphore_mem>>) src(%arg13 : memref<80x128xf32, #tpu.memory_space<vmem>>) dst(%dma_wait3A_361 : memref<80x128xf32, #tpu.memory_space<hbm>>)
      } else {
      }
      %add3A_93 = arith.constant 7 : i32
      %add3A_94 = arith.addi %add3A_77, %add3A_93 : i32
      %dma_start3A_95 = arith.constant 0 : i32
      %dma_start3A_96 = tpu.memref_slice %arg5[%add3A_94, %dma_start3A_95] : memref<80x80xi32, #tpu.memory_space<vmem>> -> memref<1x80xi32, #tpu.memory_space<vmem>>
      %dma_start3A_97 = tpu.memref_squeeze %dma_start3A_96 : memref<1x80xi32, #tpu.memory_space<vmem>> -> memref<80xi32, #tpu.memory_space<vmem>>
      %dma_start3A_98 = arith.constant 0 : i32
      %dma_start3A_99 = arith.constant 0 : i32
      %dma_start3A_100 = tpu.memref_slice %arg3[%dma_start3A_98, %dma_start3A_99] : memref<100000x128xf32, #tpu.memory_space<hbm>> -> memref<100000x128xf32, #tpu.memory_space<hbm>>
      tpu.enqueue_indirect_dma source(%dma_start3A_100 : memref<100000x128xf32, #tpu.memory_space<hbm>>) target(%arg13 : memref<80x128xf32, #tpu.memory_space<vmem>>) offsets(%dma_start3A_97 : memref<80xi32, #tpu.memory_space<vmem>>) semaphore(%arg23 : memref<!tpu.dma_semaphore, #tpu.memory_space<semaphore_mem>>)
      %mul3A_101 = arith.constant 10 : i32
      %mul3A_102 = arith.muli %scan3A_73, %mul3A_101 : i32
      %add3A_103 = arith.constant 1 : i32
      %add3A_104 = arith.addi %mul3A_102, %add3A_103 : i32
      %dma_wait3A_105 = arith.constant 0 : i32
      %dma_wait3A_106 = tpu.memref_slice %arg5[%add3A_104, %dma_wait3A_105] : memref<80x80xi32, #tpu.memory_space<vmem>> -> memref<1x80xi32, #tpu.memory_space<vmem>>
      %dma_wait3A_107 = tpu.memref_squeeze %dma_wait3A_106 : memref<1x80xi32, #tpu.memory_space<vmem>> -> memref<80xi32, #tpu.memory_space<vmem>>
      %dma_wait3A_108 = arith.constant 0 : i32
      %dma_wait3A_109 = arith.constant 0 : i32
      %dma_wait3A_110 = tpu.memref_slice %arg3[%dma_wait3A_108, %dma_wait3A_109] : memref<100000x128xf32, #tpu.memory_space<hbm>> -> memref<100000x128xf32, #tpu.memory_space<hbm>>
      tpu.wait_indirect_dma semaphore(%arg17 : memref<!tpu.dma_semaphore, #tpu.memory_space<semaphore_mem>>) src(%dma_wait3A_110 : memref<100000x128xf32, #tpu.memory_space<hbm>>) dst(%arg7 : memref<80x128xf32, #tpu.memory_space<vmem>>)
      %mul3A_111 = arith.constant 80 : i32
      %mul3A_112 = arith.muli %add3A_104, %mul3A_111 : i32
      %add3A_113 = arith.addi %mul3A_2, %mul3A_112 : i32
      %dma_start3A_114 = arith.constant 0 : i32
      %dma_start3A_115 = tpu.memref_slice %arg4[%add3A_113, %dma_start3A_114] : memref<204800x128xf32, #tpu.memory_space<hbm>> -> memref<80x128xf32, #tpu.memory_space<hbm>>
      %dma_start3A_116 = arith.constant 0 : i32
      %dma_start3A_117 = tpu.memref_slice %arg4[%add3A_113, %dma_start3A_116] : memref<204800x128xf32, #tpu.memory_space<hbm>> -> memref<80x128xf32, #tpu.memory_space<hbm>>
      tpu.enqueue_dma source(%arg7 : memref<80x128xf32, #tpu.memory_space<vmem>>) target(%dma_start3A_117 : memref<80x128xf32, #tpu.memory_space<hbm>>) target_semaphore(%arg27 : memref<!tpu.dma_semaphore, #tpu.memory_space<semaphore_mem>>)
      %ge3A_118 = arith.constant 1 : i32
      %ge3A_119 = arith.cmpi sge, %scan3A_73, %ge3A_118 : i32
      %convert_element_type3A_120 = arith.extui %ge3A_119 : i1 to i32
      %cond3A_121 = arith.constant 0 : i32
      %cond3A_122 = arith.cmpi ne, %convert_element_type3A_120, %cond3A_121 : i32
      scf.if %cond3A_122 {
        %dma_wait3A_356 = arith.constant 0 : i32
        %dma_wait3A_357 = arith.constant 0 : i32
        %dma_wait3A_358 = tpu.memref_slice %arg4[%dma_wait3A_356, %dma_wait3A_357] : memref<204800x128xf32, #tpu.memory_space<hbm>> -> memref<80x128xf32, #tpu.memory_space<hbm>>
        %dma_wait3A_359 = arith.constant 0 : i32
        %dma_wait3A_360 = arith.constant 0 : i32
        %dma_wait3A_361 = tpu.memref_slice %arg4[%dma_wait3A_359, %dma_wait3A_360] : memref<204800x128xf32, #tpu.memory_space<hbm>> -> memref<80x128xf32, #tpu.memory_space<hbm>>
        tpu.wait_dma2 semaphore(%arg34 : memref<!tpu.dma_semaphore, #tpu.memory_space<semaphore_mem>>) src(%arg14 : memref<80x128xf32, #tpu.memory_space<vmem>>) dst(%dma_wait3A_361 : memref<80x128xf32, #tpu.memory_space<hbm>>)
      } else {
      }
      %add3A_123 = arith.constant 7 : i32
      %add3A_124 = arith.addi %add3A_104, %add3A_123 : i32
      %dma_start3A_125 = arith.constant 0 : i32
      %dma_start3A_126 = tpu.memref_slice %arg5[%add3A_124, %dma_start3A_125] : memref<80x80xi32, #tpu.memory_space<vmem>> -> memref<1x80xi32, #tpu.memory_space<vmem>>
      %dma_start3A_127 = tpu.memref_squeeze %dma_start3A_126 : memref<1x80xi32, #tpu.memory_space<vmem>> -> memref<80xi32, #tpu.memory_space<vmem>>
      %dma_start3A_128 = arith.constant 0 : i32
      %dma_start3A_129 = arith.constant 0 : i32
      %dma_start3A_130 = tpu.memref_slice %arg3[%dma_start3A_128, %dma_start3A_129] : memref<100000x128xf32, #tpu.memory_space<hbm>> -> memref<100000x128xf32, #tpu.memory_space<hbm>>
      tpu.enqueue_indirect_dma source(%dma_start3A_130 : memref<100000x128xf32, #tpu.memory_space<hbm>>) target(%arg14 : memref<80x128xf32, #tpu.memory_space<vmem>>) offsets(%dma_start3A_127 : memref<80xi32, #tpu.memory_space<vmem>>) semaphore(%arg24 : memref<!tpu.dma_semaphore, #tpu.memory_space<semaphore_mem>>)
      %mul3A_131 = arith.constant 10 : i32
      %mul3A_132 = arith.muli %scan3A_73, %mul3A_131 : i32
      %add3A_133 = arith.constant 2 : i32
      %add3A_134 = arith.addi %mul3A_132, %add3A_133 : i32
      %dma_wait3A_135 = arith.constant 0 : i32
      %dma_wait3A_136 = tpu.memref_slice %arg5[%add3A_134, %dma_wait3A_135] : memref<80x80xi32, #tpu.memory_space<vmem>> -> memref<1x80xi32, #tpu.memory_space<vmem>>
      %dma_wait3A_137 = tpu.memref_squeeze %dma_wait3A_136 : memref<1x80xi32, #tpu.memory_space<vmem>> -> memref<80xi32, #tpu.memory_space<vmem>>
      %dma_wait3A_138 = arith.constant 0 : i32
      %dma_wait3A_139 = arith.constant 0 : i32
      %dma_wait3A_140 = tpu.memref_slice %arg3[%dma_wait3A_138, %dma_wait3A_139] : memref<100000x128xf32, #tpu.memory_space<hbm>> -> memref<100000x128xf32, #tpu.memory_space<hbm>>
      tpu.wait_indirect_dma semaphore(%arg18 : memref<!tpu.dma_semaphore, #tpu.memory_space<semaphore_mem>>) src(%dma_wait3A_140 : memref<100000x128xf32, #tpu.memory_space<hbm>>) dst(%arg8 : memref<80x128xf32, #tpu.memory_space<vmem>>)
      %mul3A_141 = arith.constant 80 : i32
      %mul3A_142 = arith.muli %add3A_134, %mul3A_141 : i32
      %add3A_143 = arith.addi %mul3A_2, %mul3A_142 : i32
      %dma_start3A_144 = arith.constant 0 : i32
      %dma_start3A_145 = tpu.memref_slice %arg4[%add3A_143, %dma_start3A_144] : memref<204800x128xf32, #tpu.memory_space<hbm>> -> memref<80x128xf32, #tpu.memory_space<hbm>>
      %dma_start3A_146 = arith.constant 0 : i32
      %dma_start3A_147 = tpu.memref_slice %arg4[%add3A_143, %dma_start3A_146] : memref<204800x128xf32, #tpu.memory_space<hbm>> -> memref<80x128xf32, #tpu.memory_space<hbm>>
      tpu.enqueue_dma source(%arg8 : memref<80x128xf32, #tpu.memory_space<vmem>>) target(%dma_start3A_147 : memref<80x128xf32, #tpu.memory_space<hbm>>) target_semaphore(%arg28 : memref<!tpu.dma_semaphore, #tpu.memory_space<semaphore_mem>>)
      %ge3A_148 = arith.constant 1 : i32
      %ge3A_149 = arith.cmpi sge, %scan3A_73, %ge3A_148 : i32
      %convert_element_type3A_150 = arith.extui %ge3A_149 : i1 to i32
      %cond3A_151 = arith.constant 0 : i32
      %cond3A_152 = arith.cmpi ne, %convert_element_type3A_150, %cond3A_151 : i32
      scf.if %cond3A_152 {
        %dma_wait3A_356 = arith.constant 0 : i32
        %dma_wait3A_357 = arith.constant 0 : i32
        %dma_wait3A_358 = tpu.memref_slice %arg4[%dma_wait3A_356, %dma_wait3A_357] : memref<204800x128xf32, #tpu.memory_space<hbm>> -> memref<80x128xf32, #tpu.memory_space<hbm>>
        %dma_wait3A_359 = arith.constant 0 : i32
        %dma_wait3A_360 = arith.constant 0 : i32
        %dma_wait3A_361 = tpu.memref_slice %arg4[%dma_wait3A_359, %dma_wait3A_360] : memref<204800x128xf32, #tpu.memory_space<hbm>> -> memref<80x128xf32, #tpu.memory_space<hbm>>
        tpu.wait_dma2 semaphore(%arg35 : memref<!tpu.dma_semaphore, #tpu.memory_space<semaphore_mem>>) src(%arg15 : memref<80x128xf32, #tpu.memory_space<vmem>>) dst(%dma_wait3A_361 : memref<80x128xf32, #tpu.memory_space<hbm>>)
      } else {
      }
      %add3A_153 = arith.constant 7 : i32
      %add3A_154 = arith.addi %add3A_134, %add3A_153 : i32
      %dma_start3A_155 = arith.constant 0 : i32
      %dma_start3A_156 = tpu.memref_slice %arg5[%add3A_154, %dma_start3A_155] : memref<80x80xi32, #tpu.memory_space<vmem>> -> memref<1x80xi32, #tpu.memory_space<vmem>>
      %dma_start3A_157 = tpu.memref_squeeze %dma_start3A_156 : memref<1x80xi32, #tpu.memory_space<vmem>> -> memref<80xi32, #tpu.memory_space<vmem>>
      %dma_start3A_158 = arith.constant 0 : i32
      %dma_start3A_159 = arith.constant 0 : i32
      %dma_start3A_160 = tpu.memref_slice %arg3[%dma_start3A_158, %dma_start3A_159] : memref<100000x128xf32, #tpu.memory_space<hbm>> -> memref<100000x128xf32, #tpu.memory_space<hbm>>
      tpu.enqueue_indirect_dma source(%dma_start3A_160 : memref<100000x128xf32, #tpu.memory_space<hbm>>) target(%arg15 : memref<80x128xf32, #tpu.memory_space<vmem>>) offsets(%dma_start3A_157 : memref<80xi32, #tpu.memory_space<vmem>>) semaphore(%arg25 : memref<!tpu.dma_semaphore, #tpu.memory_space<semaphore_mem>>)
      %mul3A_161 = arith.constant 10 : i32
      %mul3A_162 = arith.muli %scan3A_73, %mul3A_161 : i32
      %add3A_163 = arith.constant 3 : i32
      %add3A_164 = arith.addi %mul3A_162, %add3A_163 : i32
      %dma_wait3A_165 = arith.constant 0 : i32
      %dma_wait3A_166 = tpu.memref_slice %arg5[%add3A_164, %dma_wait3A_165] : memref<80x80xi32, #tpu.memory_space<vmem>> -> memref<1x80xi32, #tpu.memory_space<vmem>>
      %dma_wait3A_167 = tpu.memref_squeeze %dma_wait3A_166 : memref<1x80xi32, #tpu.memory_space<vmem>> -> memref<80xi32, #tpu.memory_space<vmem>>
      %dma_wait3A_168 = arith.constant 0 : i32
      %dma_wait3A_169 = arith.constant 0 : i32
      %dma_wait3A_170 = tpu.memref_slice %arg3[%dma_wait3A_168, %dma_wait3A_169] : memref<100000x128xf32, #tpu.memory_space<hbm>> -> memref<100000x128xf32, #tpu.memory_space<hbm>>
      tpu.wait_indirect_dma semaphore(%arg19 : memref<!tpu.dma_semaphore, #tpu.memory_space<semaphore_mem>>) src(%dma_wait3A_170 : memref<100000x128xf32, #tpu.memory_space<hbm>>) dst(%arg9 : memref<80x128xf32, #tpu.memory_space<vmem>>)
      %mul3A_171 = arith.constant 80 : i32
      %mul3A_172 = arith.muli %add3A_164, %mul3A_171 : i32
      %add3A_173 = arith.addi %mul3A_2, %mul3A_172 : i32
      %dma_start3A_174 = arith.constant 0 : i32
      %dma_start3A_175 = tpu.memref_slice %arg4[%add3A_173, %dma_start3A_174] : memref<204800x128xf32, #tpu.memory_space<hbm>> -> memref<80x128xf32, #tpu.memory_space<hbm>>
      %dma_start3A_176 = arith.constant 0 : i32
      %dma_start3A_177 = tpu.memref_slice %arg4[%add3A_173, %dma_start3A_176] : memref<204800x128xf32, #tpu.memory_space<hbm>> -> memref<80x128xf32, #tpu.memory_space<hbm>>
      tpu.enqueue_dma source(%arg9 : memref<80x128xf32, #tpu.memory_space<vmem>>) target(%dma_start3A_177 : memref<80x128xf32, #tpu.memory_space<hbm>>) target_semaphore(%arg29 : memref<!tpu.dma_semaphore, #tpu.memory_space<semaphore_mem>>)
      %dma_wait3A_178 = arith.constant 0 : i32
      %dma_wait3A_179 = arith.constant 0 : i32
      %dma_wait3A_180 = tpu.memref_slice %arg4[%dma_wait3A_178, %dma_wait3A_179] : memref<204800x128xf32, #tpu.memory_space<hbm>> -> memref<80x128xf32, #tpu.memory_space<hbm>>
      %dma_wait3A_181 = arith.constant 0 : i32
      %dma_wait3A_182 = arith.constant 0 : i32
      %dma_wait3A_183 = tpu.memref_slice %arg4[%dma_wait3A_181, %dma_wait3A_182] : memref<204800x128xf32, #tpu.memory_space<hbm>> -> memref<80x128xf32, #tpu.memory_space<hbm>>
      tpu.wait_dma2 semaphore(%arg26 : memref<!tpu.dma_semaphore, #tpu.memory_space<semaphore_mem>>) src(%arg6 : memref<80x128xf32, #tpu.memory_space<vmem>>) dst(%dma_wait3A_183 : memref<80x128xf32, #tpu.memory_space<hbm>>)
      %lt3A = arith.constant 7 : i32
      %lt3A_184 = arith.cmpi slt, %scan3A_73, %lt3A : i32
      %convert_element_type3A_185 = arith.extui %lt3A_184 : i1 to i32
      %cond3A_186 = arith.constant 0 : i32
      %cond3A_187 = arith.cmpi ne, %convert_element_type3A_185, %cond3A_186 : i32
      scf.if %cond3A_187 {
        %add3A_356 = arith.constant 7 : i32
        %add3A_357 = arith.addi %add3A_164, %add3A_356 : i32
        %dma_start3A_358 = arith.constant 0 : i32
        %dma_start3A_359 = tpu.memref_slice %arg5[%add3A_357, %dma_start3A_358] : memref<80x80xi32, #tpu.memory_space<vmem>> -> memref<1x80xi32, #tpu.memory_space<vmem>>
        %dma_start3A_360 = tpu.memref_squeeze %dma_start3A_359 : memref<1x80xi32, #tpu.memory_space<vmem>> -> memref<80xi32, #tpu.memory_space<vmem>>
        %dma_start3A_361 = arith.constant 0 : i32
        %dma_start3A_362 = arith.constant 0 : i32
        %dma_start3A_363 = tpu.memref_slice %arg3[%dma_start3A_361, %dma_start3A_362] : memref<100000x128xf32, #tpu.memory_space<hbm>> -> memref<100000x128xf32, #tpu.memory_space<hbm>>
        tpu.enqueue_indirect_dma source(%dma_start3A_363 : memref<100000x128xf32, #tpu.memory_space<hbm>>) target(%arg6 : memref<80x128xf32, #tpu.memory_space<vmem>>) offsets(%dma_start3A_360 : memref<80xi32, #tpu.memory_space<vmem>>) semaphore(%arg16 : memref<!tpu.dma_semaphore, #tpu.memory_space<semaphore_mem>>)
      } else {
      }
      %mul3A_188 = arith.constant 10 : i32
      %mul3A_189 = arith.muli %scan3A_73, %mul3A_188 : i32
      %add3A_190 = arith.constant 4 : i32
      %add3A_191 = arith.addi %mul3A_189, %add3A_190 : i32
      %dma_wait3A_192 = arith.constant 0 : i32
      %dma_wait3A_193 = tpu.memref_slice %arg5[%add3A_191, %dma_wait3A_192] : memref<80x80xi32, #tpu.memory_space<vmem>> -> memref<1x80xi32, #tpu.memory_space<vmem>>
      %dma_wait3A_194 = tpu.memref_squeeze %dma_wait3A_193 : memref<1x80xi32, #tpu.memory_space<vmem>> -> memref<80xi32, #tpu.memory_space<vmem>>
      %dma_wait3A_195 = arith.constant 0 : i32
      %dma_wait3A_196 = arith.constant 0 : i32
      %dma_wait3A_197 = tpu.memref_slice %arg3[%dma_wait3A_195, %dma_wait3A_196] : memref<100000x128xf32, #tpu.memory_space<hbm>> -> memref<100000x128xf32, #tpu.memory_space<hbm>>
      tpu.wait_indirect_dma semaphore(%arg20 : memref<!tpu.dma_semaphore, #tpu.memory_space<semaphore_mem>>) src(%dma_wait3A_197 : memref<100000x128xf32, #tpu.memory_space<hbm>>) dst(%arg10 : memref<80x128xf32, #tpu.memory_space<vmem>>)
      %mul3A_198 = arith.constant 80 : i32
      %mul3A_199 = arith.muli %add3A_191, %mul3A_198 : i32
      %add3A_200 = arith.addi %mul3A_2, %mul3A_199 : i32
      %dma_start3A_201 = arith.constant 0 : i32
      %dma_start3A_202 = tpu.memref_slice %arg4[%add3A_200, %dma_start3A_201] : memref<204800x128xf32, #tpu.memory_space<hbm>> -> memref<80x128xf32, #tpu.memory_space<hbm>>
      %dma_start3A_203 = arith.constant 0 : i32
      %dma_start3A_204 = tpu.memref_slice %arg4[%add3A_200, %dma_start3A_203] : memref<204800x128xf32, #tpu.memory_space<hbm>> -> memref<80x128xf32, #tpu.memory_space<hbm>>
      tpu.enqueue_dma source(%arg10 : memref<80x128xf32, #tpu.memory_space<vmem>>) target(%dma_start3A_204 : memref<80x128xf32, #tpu.memory_space<hbm>>) target_semaphore(%arg30 : memref<!tpu.dma_semaphore, #tpu.memory_space<semaphore_mem>>)
      %dma_wait3A_205 = arith.constant 0 : i32
      %dma_wait3A_206 = arith.constant 0 : i32
      %dma_wait3A_207 = tpu.memref_slice %arg4[%dma_wait3A_205, %dma_wait3A_206] : memref<204800x128xf32, #tpu.memory_space<hbm>> -> memref<80x128xf32, #tpu.memory_space<hbm>>
      %dma_wait3A_208 = arith.constant 0 : i32
      %dma_wait3A_209 = arith.constant 0 : i32
      %dma_wait3A_210 = tpu.memref_slice %arg4[%dma_wait3A_208, %dma_wait3A_209] : memref<204800x128xf32, #tpu.memory_space<hbm>> -> memref<80x128xf32, #tpu.memory_space<hbm>>
      tpu.wait_dma2 semaphore(%arg27 : memref<!tpu.dma_semaphore, #tpu.memory_space<semaphore_mem>>) src(%arg7 : memref<80x128xf32, #tpu.memory_space<vmem>>) dst(%dma_wait3A_210 : memref<80x128xf32, #tpu.memory_space<hbm>>)
      %lt3A_211 = arith.constant 7 : i32
      %lt3A_212 = arith.cmpi slt, %scan3A_73, %lt3A_211 : i32
      %convert_element_type3A_213 = arith.extui %lt3A_212 : i1 to i32
      %cond3A_214 = arith.constant 0 : i32
      %cond3A_215 = arith.cmpi ne, %convert_element_type3A_213, %cond3A_214 : i32
      scf.if %cond3A_215 {
        %add3A_356 = arith.constant 7 : i32
        %add3A_357 = arith.addi %add3A_191, %add3A_356 : i32
        %dma_start3A_358 = arith.constant 0 : i32
        %dma_start3A_359 = tpu.memref_slice %arg5[%add3A_357, %dma_start3A_358] : memref<80x80xi32, #tpu.memory_space<vmem>> -> memref<1x80xi32, #tpu.memory_space<vmem>>
        %dma_start3A_360 = tpu.memref_squeeze %dma_start3A_359 : memref<1x80xi32, #tpu.memory_space<vmem>> -> memref<80xi32, #tpu.memory_space<vmem>>
        %dma_start3A_361 = arith.constant 0 : i32
        %dma_start3A_362 = arith.constant 0 : i32
        %dma_start3A_363 = tpu.memref_slice %arg3[%dma_start3A_361, %dma_start3A_362] : memref<100000x128xf32, #tpu.memory_space<hbm>> -> memref<100000x128xf32, #tpu.memory_space<hbm>>
        tpu.enqueue_indirect_dma source(%dma_start3A_363 : memref<100000x128xf32, #tpu.memory_space<hbm>>) target(%arg7 : memref<80x128xf32, #tpu.memory_space<vmem>>) offsets(%dma_start3A_360 : memref<80xi32, #tpu.memory_space<vmem>>) semaphore(%arg17 : memref<!tpu.dma_semaphore, #tpu.memory_space<semaphore_mem>>)
      } else {
      }
      %mul3A_216 = arith.constant 10 : i32
      %mul3A_217 = arith.muli %scan3A_73, %mul3A_216 : i32
      %add3A_218 = arith.constant 5 : i32
      %add3A_219 = arith.addi %mul3A_217, %add3A_218 : i32
      %dma_wait3A_220 = arith.constant 0 : i32
      %dma_wait3A_221 = tpu.memref_slice %arg5[%add3A_219, %dma_wait3A_220] : memref<80x80xi32, #tpu.memory_space<vmem>> -> memref<1x80xi32, #tpu.memory_space<vmem>>
      %dma_wait3A_222 = tpu.memref_squeeze %dma_wait3A_221 : memref<1x80xi32, #tpu.memory_space<vmem>> -> memref<80xi32, #tpu.memory_space<vmem>>
      %dma_wait3A_223 = arith.constant 0 : i32
      %dma_wait3A_224 = arith.constant 0 : i32
      %dma_wait3A_225 = tpu.memref_slice %arg3[%dma_wait3A_223, %dma_wait3A_224] : memref<100000x128xf32, #tpu.memory_space<hbm>> -> memref<100000x128xf32, #tpu.memory_space<hbm>>
      tpu.wait_indirect_dma semaphore(%arg21 : memref<!tpu.dma_semaphore, #tpu.memory_space<semaphore_mem>>) src(%dma_wait3A_225 : memref<100000x128xf32, #tpu.memory_space<hbm>>) dst(%arg11 : memref<80x128xf32, #tpu.memory_space<vmem>>)
      %mul3A_226 = arith.constant 80 : i32
      %mul3A_227 = arith.muli %add3A_219, %mul3A_226 : i32
      %add3A_228 = arith.addi %mul3A_2, %mul3A_227 : i32
      %dma_start3A_229 = arith.constant 0 : i32
      %dma_start3A_230 = tpu.memref_slice %arg4[%add3A_228, %dma_start3A_229] : memref<204800x128xf32, #tpu.memory_space<hbm>> -> memref<80x128xf32, #tpu.memory_space<hbm>>
      %dma_start3A_231 = arith.constant 0 : i32
      %dma_start3A_232 = tpu.memref_slice %arg4[%add3A_228, %dma_start3A_231] : memref<204800x128xf32, #tpu.memory_space<hbm>> -> memref<80x128xf32, #tpu.memory_space<hbm>>
      tpu.enqueue_dma source(%arg11 : memref<80x128xf32, #tpu.memory_space<vmem>>) target(%dma_start3A_232 : memref<80x128xf32, #tpu.memory_space<hbm>>) target_semaphore(%arg31 : memref<!tpu.dma_semaphore, #tpu.memory_space<semaphore_mem>>)
      %dma_wait3A_233 = arith.constant 0 : i32
      %dma_wait3A_234 = arith.constant 0 : i32
      %dma_wait3A_235 = tpu.memref_slice %arg4[%dma_wait3A_233, %dma_wait3A_234] : memref<204800x128xf32, #tpu.memory_space<hbm>> -> memref<80x128xf32, #tpu.memory_space<hbm>>
      %dma_wait3A_236 = arith.constant 0 : i32
      %dma_wait3A_237 = arith.constant 0 : i32
      %dma_wait3A_238 = tpu.memref_slice %arg4[%dma_wait3A_236, %dma_wait3A_237] : memref<204800x128xf32, #tpu.memory_space<hbm>> -> memref<80x128xf32, #tpu.memory_space<hbm>>
      tpu.wait_dma2 semaphore(%arg28 : memref<!tpu.dma_semaphore, #tpu.memory_space<semaphore_mem>>) src(%arg8 : memref<80x128xf32, #tpu.memory_space<vmem>>) dst(%dma_wait3A_238 : memref<80x128xf32, #tpu.memory_space<hbm>>)
      %lt3A_239 = arith.constant 7 : i32
      %lt3A_240 = arith.cmpi slt, %scan3A_73, %lt3A_239 : i32
      %convert_element_type3A_241 = arith.extui %lt3A_240 : i1 to i32
      %cond3A_242 = arith.constant 0 : i32
      %cond3A_243 = arith.cmpi ne, %convert_element_type3A_241, %cond3A_242 : i32
      scf.if %cond3A_243 {
        %add3A_356 = arith.constant 7 : i32
        %add3A_357 = arith.addi %add3A_219, %add3A_356 : i32
        %dma_start3A_358 = arith.constant 0 : i32
        %dma_start3A_359 = tpu.memref_slice %arg5[%add3A_357, %dma_start3A_358] : memref<80x80xi32, #tpu.memory_space<vmem>> -> memref<1x80xi32, #tpu.memory_space<vmem>>
        %dma_start3A_360 = tpu.memref_squeeze %dma_start3A_359 : memref<1x80xi32, #tpu.memory_space<vmem>> -> memref<80xi32, #tpu.memory_space<vmem>>
        %dma_start3A_361 = arith.constant 0 : i32
        %dma_start3A_362 = arith.constant 0 : i32
        %dma_start3A_363 = tpu.memref_slice %arg3[%dma_start3A_361, %dma_start3A_362] : memref<100000x128xf32, #tpu.memory_space<hbm>> -> memref<100000x128xf32, #tpu.memory_space<hbm>>
        tpu.enqueue_indirect_dma source(%dma_start3A_363 : memref<100000x128xf32, #tpu.memory_space<hbm>>) target(%arg8 : memref<80x128xf32, #tpu.memory_space<vmem>>) offsets(%dma_start3A_360 : memref<80xi32, #tpu.memory_space<vmem>>) semaphore(%arg18 : memref<!tpu.dma_semaphore, #tpu.memory_space<semaphore_mem>>)
      } else {
      }
      %mul3A_244 = arith.constant 10 : i32
      %mul3A_245 = arith.muli %scan3A_73, %mul3A_244 : i32
      %add3A_246 = arith.constant 6 : i32
      %add3A_247 = arith.addi %mul3A_245, %add3A_246 : i32
      %dma_wait3A_248 = arith.constant 0 : i32
      %dma_wait3A_249 = tpu.memref_slice %arg5[%add3A_247, %dma_wait3A_248] : memref<80x80xi32, #tpu.memory_space<vmem>> -> memref<1x80xi32, #tpu.memory_space<vmem>>
      %dma_wait3A_250 = tpu.memref_squeeze %dma_wait3A_249 : memref<1x80xi32, #tpu.memory_space<vmem>> -> memref<80xi32, #tpu.memory_space<vmem>>
      %dma_wait3A_251 = arith.constant 0 : i32
      %dma_wait3A_252 = arith.constant 0 : i32
      %dma_wait3A_253 = tpu.memref_slice %arg3[%dma_wait3A_251, %dma_wait3A_252] : memref<100000x128xf32, #tpu.memory_space<hbm>> -> memref<100000x128xf32, #tpu.memory_space<hbm>>
      tpu.wait_indirect_dma semaphore(%arg22 : memref<!tpu.dma_semaphore, #tpu.memory_space<semaphore_mem>>) src(%dma_wait3A_253 : memref<100000x128xf32, #tpu.memory_space<hbm>>) dst(%arg12 : memref<80x128xf32, #tpu.memory_space<vmem>>)
      %mul3A_254 = arith.constant 80 : i32
      %mul3A_255 = arith.muli %add3A_247, %mul3A_254 : i32
      %add3A_256 = arith.addi %mul3A_2, %mul3A_255 : i32
      %dma_start3A_257 = arith.constant 0 : i32
      %dma_start3A_258 = tpu.memref_slice %arg4[%add3A_256, %dma_start3A_257] : memref<204800x128xf32, #tpu.memory_space<hbm>> -> memref<80x128xf32, #tpu.memory_space<hbm>>
      %dma_start3A_259 = arith.constant 0 : i32
      %dma_start3A_260 = tpu.memref_slice %arg4[%add3A_256, %dma_start3A_259] : memref<204800x128xf32, #tpu.memory_space<hbm>> -> memref<80x128xf32, #tpu.memory_space<hbm>>
      tpu.enqueue_dma source(%arg12 : memref<80x128xf32, #tpu.memory_space<vmem>>) target(%dma_start3A_260 : memref<80x128xf32, #tpu.memory_space<hbm>>) target_semaphore(%arg32 : memref<!tpu.dma_semaphore, #tpu.memory_space<semaphore_mem>>)
      %dma_wait3A_261 = arith.constant 0 : i32
      %dma_wait3A_262 = arith.constant 0 : i32
      %dma_wait3A_263 = tpu.memref_slice %arg4[%dma_wait3A_261, %dma_wait3A_262] : memref<204800x128xf32, #tpu.memory_space<hbm>> -> memref<80x128xf32, #tpu.memory_space<hbm>>
      %dma_wait3A_264 = arith.constant 0 : i32
      %dma_wait3A_265 = arith.constant 0 : i32
      %dma_wait3A_266 = tpu.memref_slice %arg4[%dma_wait3A_264, %dma_wait3A_265] : memref<204800x128xf32, #tpu.memory_space<hbm>> -> memref<80x128xf32, #tpu.memory_space<hbm>>
      tpu.wait_dma2 semaphore(%arg29 : memref<!tpu.dma_semaphore, #tpu.memory_space<semaphore_mem>>) src(%arg9 : memref<80x128xf32, #tpu.memory_space<vmem>>) dst(%dma_wait3A_266 : memref<80x128xf32, #tpu.memory_space<hbm>>)
      %lt3A_267 = arith.constant 7 : i32
      %lt3A_268 = arith.cmpi slt, %scan3A_73, %lt3A_267 : i32
      %convert_element_type3A_269 = arith.extui %lt3A_268 : i1 to i32
      %cond3A_270 = arith.constant 0 : i32
      %cond3A_271 = arith.cmpi ne, %convert_element_type3A_269, %cond3A_270 : i32
      scf.if %cond3A_271 {
        %add3A_356 = arith.constant 7 : i32
        %add3A_357 = arith.addi %add3A_247, %add3A_356 : i32
        %dma_start3A_358 = arith.constant 0 : i32
        %dma_start3A_359 = tpu.memref_slice %arg5[%add3A_357, %dma_start3A_358] : memref<80x80xi32, #tpu.memory_space<vmem>> -> memref<1x80xi32, #tpu.memory_space<vmem>>
        %dma_start3A_360 = tpu.memref_squeeze %dma_start3A_359 : memref<1x80xi32, #tpu.memory_space<vmem>> -> memref<80xi32, #tpu.memory_space<vmem>>
        %dma_start3A_361 = arith.constant 0 : i32
        %dma_start3A_362 = arith.constant 0 : i32
        %dma_start3A_363 = tpu.memref_slice %arg3[%dma_start3A_361, %dma_start3A_362] : memref<100000x128xf32, #tpu.memory_space<hbm>> -> memref<100000x128xf32, #tpu.memory_space<hbm>>
        tpu.enqueue_indirect_dma source(%dma_start3A_363 : memref<100000x128xf32, #tpu.memory_space<hbm>>) target(%arg9 : memref<80x128xf32, #tpu.memory_space<vmem>>) offsets(%dma_start3A_360 : memref<80xi32, #tpu.memory_space<vmem>>) semaphore(%arg19 : memref<!tpu.dma_semaphore, #tpu.memory_space<semaphore_mem>>)
      } else {
      }
      %mul3A_272 = arith.constant 10 : i32
      %mul3A_273 = arith.muli %scan3A_73, %mul3A_272 : i32
      %add3A_274 = arith.constant 7 : i32
      %add3A_275 = arith.addi %mul3A_273, %add3A_274 : i32
      %dma_wait3A_276 = arith.constant 0 : i32
      %dma_wait3A_277 = tpu.memref_slice %arg5[%add3A_275, %dma_wait3A_276] : memref<80x80xi32, #tpu.memory_space<vmem>> -> memref<1x80xi32, #tpu.memory_space<vmem>>
      %dma_wait3A_278 = tpu.memref_squeeze %dma_wait3A_277 : memref<1x80xi32, #tpu.memory_space<vmem>> -> memref<80xi32, #tpu.memory_space<vmem>>
      %dma_wait3A_279 = arith.constant 0 : i32
      %dma_wait3A_280 = arith.constant 0 : i32
      %dma_wait3A_281 = tpu.memref_slice %arg3[%dma_wait3A_279, %dma_wait3A_280] : memref<100000x128xf32, #tpu.memory_space<hbm>> -> memref<100000x128xf32, #tpu.memory_space<hbm>>
      tpu.wait_indirect_dma semaphore(%arg23 : memref<!tpu.dma_semaphore, #tpu.memory_space<semaphore_mem>>) src(%dma_wait3A_281 : memref<100000x128xf32, #tpu.memory_space<hbm>>) dst(%arg13 : memref<80x128xf32, #tpu.memory_space<vmem>>)
      %mul3A_282 = arith.constant 80 : i32
      %mul3A_283 = arith.muli %add3A_275, %mul3A_282 : i32
      %add3A_284 = arith.addi %mul3A_2, %mul3A_283 : i32
      %dma_start3A_285 = arith.constant 0 : i32
      %dma_start3A_286 = tpu.memref_slice %arg4[%add3A_284, %dma_start3A_285] : memref<204800x128xf32, #tpu.memory_space<hbm>> -> memref<80x128xf32, #tpu.memory_space<hbm>>
      %dma_start3A_287 = arith.constant 0 : i32
      %dma_start3A_288 = tpu.memref_slice %arg4[%add3A_284, %dma_start3A_287] : memref<204800x128xf32, #tpu.memory_space<hbm>> -> memref<80x128xf32, #tpu.memory_space<hbm>>
      tpu.enqueue_dma source(%arg13 : memref<80x128xf32, #tpu.memory_space<vmem>>) target(%dma_start3A_288 : memref<80x128xf32, #tpu.memory_space<hbm>>) target_semaphore(%arg33 : memref<!tpu.dma_semaphore, #tpu.memory_space<semaphore_mem>>)
      %dma_wait3A_289 = arith.constant 0 : i32
      %dma_wait3A_290 = arith.constant 0 : i32
      %dma_wait3A_291 = tpu.memref_slice %arg4[%dma_wait3A_289, %dma_wait3A_290] : memref<204800x128xf32, #tpu.memory_space<hbm>> -> memref<80x128xf32, #tpu.memory_space<hbm>>
      %dma_wait3A_292 = arith.constant 0 : i32
      %dma_wait3A_293 = arith.constant 0 : i32
      %dma_wait3A_294 = tpu.memref_slice %arg4[%dma_wait3A_292, %dma_wait3A_293] : memref<204800x128xf32, #tpu.memory_space<hbm>> -> memref<80x128xf32, #tpu.memory_space<hbm>>
      tpu.wait_dma2 semaphore(%arg30 : memref<!tpu.dma_semaphore, #tpu.memory_space<semaphore_mem>>) src(%arg10 : memref<80x128xf32, #tpu.memory_space<vmem>>) dst(%dma_wait3A_294 : memref<80x128xf32, #tpu.memory_space<hbm>>)
      %lt3A_295 = arith.constant 7 : i32
      %lt3A_296 = arith.cmpi slt, %scan3A_73, %lt3A_295 : i32
      %convert_element_type3A_297 = arith.extui %lt3A_296 : i1 to i32
      %cond3A_298 = arith.constant 0 : i32
      %cond3A_299 = arith.cmpi ne, %convert_element_type3A_297, %cond3A_298 : i32
      scf.if %cond3A_299 {
        %add3A_356 = arith.constant 7 : i32
        %add3A_357 = arith.addi %add3A_275, %add3A_356 : i32
        %dma_start3A_358 = arith.constant 0 : i32
        %dma_start3A_359 = tpu.memref_slice %arg5[%add3A_357, %dma_start3A_358] : memref<80x80xi32, #tpu.memory_space<vmem>> -> memref<1x80xi32, #tpu.memory_space<vmem>>
        %dma_start3A_360 = tpu.memref_squeeze %dma_start3A_359 : memref<1x80xi32, #tpu.memory_space<vmem>> -> memref<80xi32, #tpu.memory_space<vmem>>
        %dma_start3A_361 = arith.constant 0 : i32
        %dma_start3A_362 = arith.constant 0 : i32
        %dma_start3A_363 = tpu.memref_slice %arg3[%dma_start3A_361, %dma_start3A_362] : memref<100000x128xf32, #tpu.memory_space<hbm>> -> memref<100000x128xf32, #tpu.memory_space<hbm>>
        tpu.enqueue_indirect_dma source(%dma_start3A_363 : memref<100000x128xf32, #tpu.memory_space<hbm>>) target(%arg10 : memref<80x128xf32, #tpu.memory_space<vmem>>) offsets(%dma_start3A_360 : memref<80xi32, #tpu.memory_space<vmem>>) semaphore(%arg20 : memref<!tpu.dma_semaphore, #tpu.memory_space<semaphore_mem>>)
      } else {
      }
      %mul3A_300 = arith.constant 10 : i32
      %mul3A_301 = arith.muli %scan3A_73, %mul3A_300 : i32
      %add3A_302 = arith.constant 8 : i32
      %add3A_303 = arith.addi %mul3A_301, %add3A_302 : i32
      %dma_wait3A_304 = arith.constant 0 : i32
      %dma_wait3A_305 = tpu.memref_slice %arg5[%add3A_303, %dma_wait3A_304] : memref<80x80xi32, #tpu.memory_space<vmem>> -> memref<1x80xi32, #tpu.memory_space<vmem>>
      %dma_wait3A_306 = tpu.memref_squeeze %dma_wait3A_305 : memref<1x80xi32, #tpu.memory_space<vmem>> -> memref<80xi32, #tpu.memory_space<vmem>>
      %dma_wait3A_307 = arith.constant 0 : i32
      %dma_wait3A_308 = arith.constant 0 : i32
      %dma_wait3A_309 = tpu.memref_slice %arg3[%dma_wait3A_307, %dma_wait3A_308] : memref<100000x128xf32, #tpu.memory_space<hbm>> -> memref<100000x128xf32, #tpu.memory_space<hbm>>
      tpu.wait_indirect_dma semaphore(%arg24 : memref<!tpu.dma_semaphore, #tpu.memory_space<semaphore_mem>>) src(%dma_wait3A_309 : memref<100000x128xf32, #tpu.memory_space<hbm>>) dst(%arg14 : memref<80x128xf32, #tpu.memory_space<vmem>>)
      %mul3A_310 = arith.constant 80 : i32
      %mul3A_311 = arith.muli %add3A_303, %mul3A_310 : i32
      %add3A_312 = arith.addi %mul3A_2, %mul3A_311 : i32
      %dma_start3A_313 = arith.constant 0 : i32
      %dma_start3A_314 = tpu.memref_slice %arg4[%add3A_312, %dma_start3A_313] : memref<204800x128xf32, #tpu.memory_space<hbm>> -> memref<80x128xf32, #tpu.memory_space<hbm>>
      %dma_start3A_315 = arith.constant 0 : i32
      %dma_start3A_316 = tpu.memref_slice %arg4[%add3A_312, %dma_start3A_315] : memref<204800x128xf32, #tpu.memory_space<hbm>> -> memref<80x128xf32, #tpu.memory_space<hbm>>
      tpu.enqueue_dma source(%arg14 : memref<80x128xf32, #tpu.memory_space<vmem>>) target(%dma_start3A_316 : memref<80x128xf32, #tpu.memory_space<hbm>>) target_semaphore(%arg34 : memref<!tpu.dma_semaphore, #tpu.memory_space<semaphore_mem>>)
      %dma_wait3A_317 = arith.constant 0 : i32
      %dma_wait3A_318 = arith.constant 0 : i32
      %dma_wait3A_319 = tpu.memref_slice %arg4[%dma_wait3A_317, %dma_wait3A_318] : memref<204800x128xf32, #tpu.memory_space<hbm>> -> memref<80x128xf32, #tpu.memory_space<hbm>>
      %dma_wait3A_320 = arith.constant 0 : i32
      %dma_wait3A_321 = arith.constant 0 : i32
      %dma_wait3A_322 = tpu.memref_slice %arg4[%dma_wait3A_320, %dma_wait3A_321] : memref<204800x128xf32, #tpu.memory_space<hbm>> -> memref<80x128xf32, #tpu.memory_space<hbm>>
      tpu.wait_dma2 semaphore(%arg31 : memref<!tpu.dma_semaphore, #tpu.memory_space<semaphore_mem>>) src(%arg11 : memref<80x128xf32, #tpu.memory_space<vmem>>) dst(%dma_wait3A_322 : memref<80x128xf32, #tpu.memory_space<hbm>>)
      %lt3A_323 = arith.constant 7 : i32
      %lt3A_324 = arith.cmpi slt, %scan3A_73, %lt3A_323 : i32
      %convert_element_type3A_325 = arith.extui %lt3A_324 : i1 to i32
      %cond3A_326 = arith.constant 0 : i32
      %cond3A_327 = arith.cmpi ne, %convert_element_type3A_325, %cond3A_326 : i32
      scf.if %cond3A_327 {
        %add3A_356 = arith.constant 7 : i32
        %add3A_357 = arith.addi %add3A_303, %add3A_356 : i32
        %dma_start3A_358 = arith.constant 0 : i32
        %dma_start3A_359 = tpu.memref_slice %arg5[%add3A_357, %dma_start3A_358] : memref<80x80xi32, #tpu.memory_space<vmem>> -> memref<1x80xi32, #tpu.memory_space<vmem>>
        %dma_start3A_360 = tpu.memref_squeeze %dma_start3A_359 : memref<1x80xi32, #tpu.memory_space<vmem>> -> memref<80xi32, #tpu.memory_space<vmem>>
        %dma_start3A_361 = arith.constant 0 : i32
        %dma_start3A_362 = arith.constant 0 : i32
        %dma_start3A_363 = tpu.memref_slice %arg3[%dma_start3A_361, %dma_start3A_362] : memref<100000x128xf32, #tpu.memory_space<hbm>> -> memref<100000x128xf32, #tpu.memory_space<hbm>>
        tpu.enqueue_indirect_dma source(%dma_start3A_363 : memref<100000x128xf32, #tpu.memory_space<hbm>>) target(%arg11 : memref<80x128xf32, #tpu.memory_space<vmem>>) offsets(%dma_start3A_360 : memref<80xi32, #tpu.memory_space<vmem>>) semaphore(%arg21 : memref<!tpu.dma_semaphore, #tpu.memory_space<semaphore_mem>>)
      } else {
      }
      %mul3A_328 = arith.constant 10 : i32
      %mul3A_329 = arith.muli %scan3A_73, %mul3A_328 : i32
      %add3A_330 = arith.constant 9 : i32
      %add3A_331 = arith.addi %mul3A_329, %add3A_330 : i32
      %dma_wait3A_332 = arith.constant 0 : i32
      %dma_wait3A_333 = tpu.memref_slice %arg5[%add3A_331, %dma_wait3A_332] : memref<80x80xi32, #tpu.memory_space<vmem>> -> memref<1x80xi32, #tpu.memory_space<vmem>>
      %dma_wait3A_334 = tpu.memref_squeeze %dma_wait3A_333 : memref<1x80xi32, #tpu.memory_space<vmem>> -> memref<80xi32, #tpu.memory_space<vmem>>
      %dma_wait3A_335 = arith.constant 0 : i32
      %dma_wait3A_336 = arith.constant 0 : i32
      %dma_wait3A_337 = tpu.memref_slice %arg3[%dma_wait3A_335, %dma_wait3A_336] : memref<100000x128xf32, #tpu.memory_space<hbm>> -> memref<100000x128xf32, #tpu.memory_space<hbm>>
      tpu.wait_indirect_dma semaphore(%arg25 : memref<!tpu.dma_semaphore, #tpu.memory_space<semaphore_mem>>) src(%dma_wait3A_337 : memref<100000x128xf32, #tpu.memory_space<hbm>>) dst(%arg15 : memref<80x128xf32, #tpu.memory_space<vmem>>)
      %mul3A_338 = arith.constant 80 : i32
      %mul3A_339 = arith.muli %add3A_331, %mul3A_338 : i32
      %add3A_340 = arith.addi %mul3A_2, %mul3A_339 : i32
      %dma_start3A_341 = arith.constant 0 : i32
      %dma_start3A_342 = tpu.memref_slice %arg4[%add3A_340, %dma_start3A_341] : memref<204800x128xf32, #tpu.memory_space<hbm>> -> memref<80x128xf32, #tpu.memory_space<hbm>>
      %dma_start3A_343 = arith.constant 0 : i32
      %dma_start3A_344 = tpu.memref_slice %arg4[%add3A_340, %dma_start3A_343] : memref<204800x128xf32, #tpu.memory_space<hbm>> -> memref<80x128xf32, #tpu.memory_space<hbm>>
      tpu.enqueue_dma source(%arg15 : memref<80x128xf32, #tpu.memory_space<vmem>>) target(%dma_start3A_344 : memref<80x128xf32, #tpu.memory_space<hbm>>) target_semaphore(%arg35 : memref<!tpu.dma_semaphore, #tpu.memory_space<semaphore_mem>>)
      %dma_wait3A_345 = arith.constant 0 : i32
      %dma_wait3A_346 = arith.constant 0 : i32
      %dma_wait3A_347 = tpu.memref_slice %arg4[%dma_wait3A_345, %dma_wait3A_346] : memref<204800x128xf32, #tpu.memory_space<hbm>> -> memref<80x128xf32, #tpu.memory_space<hbm>>
      %dma_wait3A_348 = arith.constant 0 : i32
      %dma_wait3A_349 = arith.constant 0 : i32
      %dma_wait3A_350 = tpu.memref_slice %arg4[%dma_wait3A_348, %dma_wait3A_349] : memref<204800x128xf32, #tpu.memory_space<hbm>> -> memref<80x128xf32, #tpu.memory_space<hbm>>
      tpu.wait_dma2 semaphore(%arg32 : memref<!tpu.dma_semaphore, #tpu.memory_space<semaphore_mem>>) src(%arg12 : memref<80x128xf32, #tpu.memory_space<vmem>>) dst(%dma_wait3A_350 : memref<80x128xf32, #tpu.memory_space<hbm>>)
      %lt3A_351 = arith.constant 7 : i32
      %lt3A_352 = arith.cmpi slt, %scan3A_73, %lt3A_351 : i32
      %convert_element_type3A_353 = arith.extui %lt3A_352 : i1 to i32
      %cond3A_354 = arith.constant 0 : i32
      %cond3A_355 = arith.cmpi ne, %convert_element_type3A_353, %cond3A_354 : i32
      scf.if %cond3A_355 {
        %add3A_356 = arith.constant 7 : i32
        %add3A_357 = arith.addi %add3A_331, %add3A_356 : i32
        %dma_start3A_358 = arith.constant 0 : i32
        %dma_start3A_359 = tpu.memref_slice %arg5[%add3A_357, %dma_start3A_358] : memref<80x80xi32, #tpu.memory_space<vmem>> -> memref<1x80xi32, #tpu.memory_space<vmem>>
        %dma_start3A_360 = tpu.memref_squeeze %dma_start3A_359 : memref<1x80xi32, #tpu.memory_space<vmem>> -> memref<80xi32, #tpu.memory_space<vmem>>
        %dma_start3A_361 = arith.constant 0 : i32
        %dma_start3A_362 = arith.constant 0 : i32
        %dma_start3A_363 = tpu.memref_slice %arg3[%dma_start3A_361, %dma_start3A_362] : memref<100000x128xf32, #tpu.memory_space<hbm>> -> memref<100000x128xf32, #tpu.memory_space<hbm>>
        tpu.enqueue_indirect_dma source(%dma_start3A_363 : memref<100000x128xf32, #tpu.memory_space<hbm>>) target(%arg12 : memref<80x128xf32, #tpu.memory_space<vmem>>) offsets(%dma_start3A_360 : memref<80xi32, #tpu.memory_space<vmem>>) semaphore(%arg22 : memref<!tpu.dma_semaphore, #tpu.memory_space<semaphore_mem>>)
      } else {
      }
    }
    %scan3A_55 = arith.constant 8 : i32
    %dma_wait3A = arith.constant 0 : i32
    %dma_wait3A_56 = arith.constant 0 : i32
    %dma_wait3A_57 = tpu.memref_slice %arg4[%dma_wait3A, %dma_wait3A_56] : memref<204800x128xf32, #tpu.memory_space<hbm>> -> memref<80x128xf32, #tpu.memory_space<hbm>>
    %dma_wait3A_58 = arith.constant 0 : i32
    %dma_wait3A_59 = arith.constant 0 : i32
    %dma_wait3A_60 = tpu.memref_slice %arg4[%dma_wait3A_58, %dma_wait3A_59] : memref<204800x128xf32, #tpu.memory_space<hbm>> -> memref<80x128xf32, #tpu.memory_space<hbm>>
    tpu.wait_dma2 semaphore(%arg33 : memref<!tpu.dma_semaphore, #tpu.memory_space<semaphore_mem>>) src(%arg13 : memref<80x128xf32, #tpu.memory_space<vmem>>) dst(%dma_wait3A_60 : memref<80x128xf32, #tpu.memory_space<hbm>>)
    %dma_wait3A_61 = arith.constant 0 : i32
    %dma_wait3A_62 = arith.constant 0 : i32
    %dma_wait3A_63 = tpu.memref_slice %arg4[%dma_wait3A_61, %dma_wait3A_62] : memref<204800x128xf32, #tpu.memory_space<hbm>> -> memref<80x128xf32, #tpu.memory_space<hbm>>
    %dma_wait3A_64 = arith.constant 0 : i32
    %dma_wait3A_65 = arith.constant 0 : i32
    %dma_wait3A_66 = tpu.memref_slice %arg4[%dma_wait3A_64, %dma_wait3A_65] : memref<204800x128xf32, #tpu.memory_space<hbm>> -> memref<80x128xf32, #tpu.memory_space<hbm>>
    tpu.wait_dma2 semaphore(%arg34 : memref<!tpu.dma_semaphore, #tpu.memory_space<semaphore_mem>>) src(%arg14 : memref<80x128xf32, #tpu.memory_space<vmem>>) dst(%dma_wait3A_66 : memref<80x128xf32, #tpu.memory_space<hbm>>)
    %dma_wait3A_67 = arith.constant 0 : i32
    %dma_wait3A_68 = arith.constant 0 : i32
    %dma_wait3A_69 = tpu.memref_slice %arg4[%dma_wait3A_67, %dma_wait3A_68] : memref<204800x128xf32, #tpu.memory_space<hbm>> -> memref<80x128xf32, #tpu.memory_space<hbm>>
    %dma_wait3A_70 = arith.constant 0 : i32
    %dma_wait3A_71 = arith.constant 0 : i32
    %dma_wait3A_72 = tpu.memref_slice %arg4[%dma_wait3A_70, %dma_wait3A_71] : memref<204800x128xf32, #tpu.memory_space<hbm>> -> memref<80x128xf32, #tpu.memory_space<hbm>>
    tpu.wait_dma2 semaphore(%arg35 : memref<!tpu.dma_semaphore, #tpu.memory_space<semaphore_mem>>) src(%arg15 : memref<80x128xf32, #tpu.memory_space<vmem>>) dst(%dma_wait3A_72 : memref<80x128xf32, #tpu.memory_space<hbm>>)
    return
  }
}

</mosaic_0001>

<sc_bundles>
// kernel: kernel.3.cloned.1.call-start
scs
__scs_entry_jumppad:
0x0: {  	(pc) =	sbr.rel $0x88, $3  }
0x1: {  	(tag) =	ssettag $0x0;
	lr =	simm.s32 $0x1  }
0x2: {  	[smem:$0x3F9F] =	sst lr;
	_ =	strace $0xD0000000  }
0x3: {  	_ = 	snop  }
0x4: {  	_ = 	snop  }
0x5: {  	_ = 	snop  }
0x6: {  	_ = 	snop  }
0x7: {  	_ = 	snop  }
__scs_overlays_trampoline_lowered:
0x8: {  	[smem:$0x3FAE] =	sst s0  }
0x9: {  	[smem:$0x3FAF] =	sst s1  }
0xa: {  	[smem:$0x3FB0] =	sst s2  }
0xb: {  	[smem:$0x3FB1] =	sst s3  }
0xc: {  	[smem:$0x3FB2] =	sst s4  }
0xd: {  	[smem:$0x3FB3] =	sst s5  }
0xe: {  	[smem:$0x3FB4] =	sst s6  }
0xf: {  	[smem:$0x3FB5] =	sst s7  }
0x10: {  	[smem:$0x3FB6] =	sst s8  }
0x11: {  	[smem:$0x3FB7] =	sst s9;
	s0 =	simm.s32 @!p0 $0x0  }
0x12: {  	s1 =	sld [smem:$0x3F9D];
	s0 =	simm.s32 @p0 $0x1  }
0x13: {  	[smem:$0x3FB8] =	sst s0;
	s0 =	simm.s32 @!p1 $0x0  }
0x14: {  	s2 =	sld [smem:$0x3F9C];
	s0 =	simm.s32 @p1 $0x1  }
0x15: {  	[smem:$0x3FB9] =	sst s0;
	s0 =	simm.s32 @!p2 $0x0  }
0x16: {  	s3 =	sld [smem:$0x3FDB];
	s0 =	simm.s32 @p2 $0x1  }
0x17: {  	s4 =	simm.s32 $0x1BF5;
	[smem:$0x3FBB] =	sst s0  }
0x18: {  	s0 =	sld [smem:$0x3F9E];
	_ =	swait.ge [sflag:s4], $0x0  }
0x19: {  	s7 =	sld [smem:$0x3F9F]  }
0x1a: {  	s8 =	sadd.s32 $0xFFFFE003, lr  }
0x1b: {  	s9 =	sadd.s32 $0xFFFFFEF7, lr;
	s5 =	simm.s32 $0xFFFFFFFF;
	p2 =	slt.u32 s8, $0xFFFFF086  }
0x1c: {  	p1 =	slt.u32 s9, $0xF7A;
	s5 =	simm.s32 @!p2 $0x0  }
0x1d: {  	s5 =	simm.s32 @p1 $0x1;
	p0 =	seq.s32 s7, s2  }
0x1e: {  	s7 =	smul.u32 @!p0 $0xF7A, s2;
	p2 =	seq.s32 @!p0 s5, $0x0  }
0x1f: {  	s9 =	smul.u32 $0xF7A, s1;
	s8 =	simm.s32 @!p0 $0x1BF5;
	p2 =	por !p2, p0  }
0x20: {  	[sflag:s8] =	ssyncset.s32 @!p0 $0xFFFFF086;
	s6 =	sadd.s32 @!p0 s3, s7;
	s7 =	simm.s32 @!p0 $0x108  }
0x21: {  	s3 =	sadd.s32 s3, s9;
	s6 =	sadd.s32 @!p0 $0x88, s6;
	s7 =	simm.s32 @p2 $0x1082  }
0x22: {  	[simem:s7], [sflag:s8] =	dma.local @!p0 [hbm:s6], $0xF7A  }
0x23: {  	s9 =	sor.u32 $0xD0000000, s2;
	s6 =	simm.s32 $0x108;
	_ =	swait.ge @!p0 [sflag:s8], $0x0  }
0x24: {  	s3 =	sadd.s32 $0x88, s3;
	s6 =	simm.s32 @!p1 $0x1082;
	[sflag:s4] =	ssyncset.s32 $0xFFFFF086  }
0x25: {  	[simem:s6], [sflag:s4] =	dma.local [hbm:s3], $0xF7A  }
0x26: {  	[smem:$0x3F9F] =	sst s1;
	(tag) =	ssettag s2;
	_ =	strace s9  }
0x27: {  	s1 =	sld [smem:$0x3FAF]  }
0x28: {  	s2 =	sld [smem:$0x3FB0]  }
0x29: {  	s4 =	sld [smem:$0x3FB2]  }
0x2a: {  	p0 =	seq.s32 s5, $0x0;
	s5 =	sld [smem:$0x3FB3]  }
0x2b: {  	s6 =	sld [smem:$0x3FB4]  }
0x2c: {  	s7 =	sld [smem:$0x3FB5]  }
0x2d: {  	s3 =	simm.s32 $0x108;
	s8 =	sld [smem:$0x3FB6]  }
0x2e: {  	s3 =	simm.s32 @!p0 $0x1082;
	s9 =	sld [smem:$0x3FB7]  }
0x2f: {  	lr =	sadd.s32 s0, s3;
	s0 =	sld [smem:$0x3FAE]  }
0x30: {  	s3 =	sld [smem:$0x3FB1]  }
0x31: {  	[smem:$0x3FBA] =	sst s10  }
0x32: {  	s10 =	sld [smem:$0x3FB8];
	_ =	sdelay $0x3  }
0x33: {  	p0 =	seq.s32 s10, $0x1;
	s10 =	sld [smem:$0x3FBA];
	_ =	sdelay $0x3  }
0x34: {  	[smem:$0x3FBA] =	sst s10  }
0x35: {  	s10 =	sld [smem:$0x3FB9];
	_ =	sdelay $0x3  }
0x36: {  	p1 =	seq.s32 s10, $0x1;
	s10 =	sld [smem:$0x3FBA];
	_ =	sdelay $0x3  }
0x37: {  	[smem:$0x3FBA] =	sst s10  }
0x38: {  	s10 =	sld [smem:$0x3FBB]  }
0x39: {  	_ = 	snop;
	(pc) =	sbr.ind lr, $3  }
0x3a: {  	_ = 	snop  }
0x3b: {  	_ = 	snop  }
0x3c: {  	p2 =	seq.s32 s10, $0x1;
	s10 =	sld [smem:$0x3FBA]  }
0x3d: {  	_ =	shalt  }
0x3e: {  	_ =	shalt  }
0x3f: {  	_ =	shalt  }
0x40: {  	_ =	shalt  }
0x41: {  	_ =	shalt  }
0x42: {  	_ =	shalt  }
0x43: {  	_ =	shalt  }
0x44: {  	_ =	shalt  }
0x45: {  	_ =	shalt  }
0x46: {  	_ =	shalt  }
0x47: {  	_ =	shalt  }
0x48: {  	_ =	shalt  }
0x49: {  	_ =	shalt  }
0x4a: {  	_ =	shalt  }
0x4b: {  	_ =	shalt  }
0x4c: {  	_ =	shalt  }
0x4d: {  	_ =	shalt  }
0x4e: {  	_ =	shalt  }
0x4f: {  	_ =	shalt  }
0x50: {  	_ =	shalt  }
0x51: {  	_ =	shalt  }
0x52: {  	_ =	shalt  }
0x53: {  	_ =	shalt  }
0x54: {  	_ =	shalt  }
0x55: {  	_ =	shalt  }
0x56: {  	_ =	shalt  }
0x57: {  	_ =	shalt  }
0x58: {  	_ =	shalt  }
0x59: {  	_ =	shalt  }
0x5a: {  	_ =	shalt  }
0x5b: {  	_ =	shalt  }
0x5c: {  	_ =	shalt  }
0x5d: {  	_ =	shalt  }
0x5e: {  	_ =	shalt  }
0x5f: {  	_ =	shalt  }
0x60: {  	_ =	shalt  }
0x61: {  	_ =	shalt  }
0x62: {  	_ =	shalt  }
0x63: {  	_ =	shalt  }
0x64: {  	_ =	shalt  }
0x65: {  	_ =	shalt  }
0x66: {  	_ =	shalt  }
0x67: {  	_ =	shalt  }
0x68: {  	_ =	shalt  }
0x69: {  	_ =	shalt  }
0x6a: {  	_ =	shalt  }
0x6b: {  	_ =	shalt  }
0x6c: {  	_ =	shalt  }
0x6d: {  	_ =	shalt  }
0x6e: {  	_ =	shalt  }
0x6f: {  	_ =	shalt  }
0x70: {  	_ =	shalt  }
0x71: {  	_ =	shalt  }
0x72: {  	_ =	shalt  }
0x73: {  	_ =	shalt  }
0x74: {  	_ =	shalt  }
0x75: {  	_ =	shalt  }
0x76: {  	_ =	shalt  }
0x77: {  	_ =	shalt  }
0x78: {  	_ =	shalt  }
0x79: {  	_ =	shalt  }
0x7a: {  	_ =	shalt  }
0x7b: {  	_ =	shalt  }
0x7c: {  	_ =	shalt  }
0x7d: {  	_ =	shalt  }
0x7e: {  	_ =	shalt  }
0x7f: {  	_ =	shalt  }
0x80: {  	_ =	shalt  }
0x81: {  	_ =	shalt  }
0x82: {  	_ =	shalt  }
0x83: {  	_ =	shalt  }
0x84: {  	_ =	shalt  }
0x85: {  	_ =	shalt  }
0x86: {  	_ =	shalt  }
0x87: {  	_ =	shalt  }
.Lfunc_end0:
.L_simem_size_0:
called_computation_lowered:
.L_overlay_start_0:
0x88: {  	s2 =	sld [smem:$0x3FD9]  }
0x89: {  	s3 =	sld [smem:$0x3FFE];
	_ =	sdelay $0x1  }
0x8a: {  	s1 =	srdreg.scid  }
0x8b: {  	s0 =	sand.u32 $0x1, s1  }
0x8c: {  	s17 =	sshll.u32 s0, $0xA;
	s2 =	sadd.s32 s3, s2  }
0x8d: {  	s2 =	sadd.s32 s2, s17  }
0x8e: {  	[smem:$0x3FC6] =	sst s2  }
0x8f: {  	_ = 	snop  }
0x90: {  	s2 =	sld [smem:$0x3FC8]  }
0x91: {  	s18 =	sld [smem:$0x3FD0];
	(tm) =	ssettm $0x1  }
0x92: {  	s4 =	sld [smem:$0x3FFB];
	_ =	sdelay $0x3  }
0x93: {  	_ =	strace s4  }
0x94: {  	s4 =	sld [smem:$0x3FFC];
	_ =	sdelay $0x3  }
0x95: {  	_ =	strace s4  }
0x96: {  	s4 =	sld [smem:$0x3FFD];
	_ =	sdelay $0x3  }
0x97: {  	_ =	strace s4  }
0x98: {  	_ =	strace $0x8FFFFFFF  }
0x99: {  	s19 =	sld [smem:$0x3FDB];
	_ =	sdelay $0x1  }
0x9a: {  	s5 =	simm.s32 $_scs_section_size  }
0x9b: {  	s6 =	simm.s32 $_size__tile_overlayer_lowered;
	s7 =	simm.s32 $_tile_overlayer_lowered  }
0x9c: {  	s22 =	simm.s32 $0x1BFF;
	s21 =	sshll.u32 s7, $0x1;
	s4 =	sadd.s32 s5, s19  }
0x9d: {  	s8 =	simm.s32 $0x0;
	s20 =	sshll.u32 s6, $0x1;
	s6 =	sadd.s32 s21, s4  }
0x9e: {  	[timem:s8], [sflag:s22] =	dma.local [hbm:s6], s20  }
0x9f: {  	_ =	swait.ge [sflag:s22], s20  }
0xa0: {  	s5 =	ssub.s32 $0x0, s20;
	[sflag:s22] =	ssyncset.done $0x0  }
0xa1: {  	[sflag:s22] =	ssyncadd.s32 s5;
	_ =	sdelay $0x1  }
0xa2: {  	s23 =	simm.s32 $0x1B8B  }
0xa3: {  	_ =	swait.ge [sflag:s23], $0x1  }
0xa4: {  	[sflag:s23] =	ssyncset.done $0x0  }
0xa5: {  	s25 =	simm.s32 $0x1B8E;
	s24 =	sld [smem:$0x3FFE];
	[sflag:s23] =	ssyncadd.s32 $0xFFFFFFFF  }
0xa6: {  	s26 =	simm.s32 $execute0_lowered;
	[smem:$0x3FD2] =	sst s25  }
0xa7: {  	s6 =	sshll.u32 s26, $0x1;
	_ =	strace $0x80000046;
	[dreg:$0x1] =	wrdreg $0xFFFFFFFF  }
0xa8: {  	s28 =	simm.s32 $_size_execute0_lowered;
	s4 =	sadd.s32 s4, s6;
	[dreg:$0x0] =	wrdreg $0x0  }
0xa9: {  	s6 =	sshll.u32 s28, $0x1;
	[dreg:$0x2] =	wrdreg s4  }
0xaa: {  	[dreg:$0x3] =	wrdreg s6  }
0xab: {  	[dreg:$0x4] =	wrdreg $0xC0  }
0xac: {  	_ =	task [dreg:s8], $0x5FFFF  }
0xad: {  	[dreg:$0x1] =	wrdreg $0xFFFFFFFF  }
0xae: {  	[dreg:$0x0] =	wrdreg $0x60  }
0xaf: {  	[dreg:$0x2] =	wrdreg s24  }
0xb0: {  	[dreg:$0x3] =	wrdreg s2  }
0xb1: {  	[dreg:$0x4] =	wrdreg s18  }
0xb2: {  	[dreg:$0x5] =	wrdreg $0x9  }
0xb3: {  	_ =	task.clear_ibuf [dreg:s8], $0x6FFFF;
	_ =	strace $0x90000046  }
0xb4: {  	s29 =	simm.s32 $0x9;
	_ =	strace $0x80000048  }
0xb5: {  	_ =	swait.ge [sflag:s29], $0x1  }
0xb6: {  	[sflag:s29] =	ssyncadd.s32 $0xFFFFFFFF  }
0xb7: {  	_ =	strace $0x90000048  }
0xb8: {  	_ =	sfence  }
0xb9: {  	s30 =	sld [smem:$0x0];
	_ =	sdelay $0x2  }
0xba: {  	s31 =	sshll.u32 s1, $0xD;
	s1 =	sshrl.u32 s1, $0x2  }
0xbb: {  	s3 =	sand.u32 $0x4000, s31;
	s1 =	sadd.s32 s1, s30  }
0xbc: {  	s0 =	sor.u32 s3, s0;
	s1 =	sshll.u32 s1, $0x11  }
0xbd: {  	s0 =	sor.u32 s1, s0  }
0xbe: {  	s0 =	sadd.s32 $0x8F2B, s0  }
0xbf: {  	[sflag:s0] =	ssyncadd.remote.s32 $0x1  }
0xc0: {  	_ =	sfence.sel $0xFFFF  }
0xc1: {  	[dreg:$0x0] =	wrdreg $0xFFFFFFFF;
	(pc) =	sbr.abs _section_cstart, $3  }
0xc2: {  	[dreg:$0x1] =	wrdreg $0xFFFFFFFF  }
0xc3: {  	_ =	task.clear_ibuf [dreg:s8], $0x2FFFF;
	_ =	strace $0x9FFFFFFF  }
0xc4: {  	(tm) =	ssettm $0x7FFFFFFF  }
0xc5: {  	_ =	shalt  }
tec
execute0_lowered:
.L_overlay_start_1:
0x0: {  	(tag) =	ssettag $0x1  }
0x1: {  	s1 =	rddreg [dreg:$0x0]  }
0x2: {  	s0 =	srdreg.scid;
	s2 =	rddreg [dreg:$0x1]  }
0x3: {  	s6 =	stileid.u32;
	s4 =	rddreg [dreg:$0x2]  }
0x4: {  	s21 =	simm.s32 $0x11800;
	s22 =	simm.s32 $0x1;
	s23 =	simm.s32 $0x14000  }
0x5: {  	s24 =	simm.s32 $0x2;
	s28 =	simm.s32 $0x19000;
	s29 =	simm.s32 $0x4  }
0x6: {  	s30 =	simm.s32 $0xB;
	s31 =	simm.s32 $0x5;
	s10 =	simm.s32 $0xD  }
0x7: {  	s12 =	simm.s32 $0x7;
	s14 =	simm.s32 $0xE;
	s16 =	simm.s32 $0x8  }
0x8: {  	s18 =	simm.s32 $0xF;
	s20 =	simm.s32 $0x9;
	s11 =	simm.s32 $0x0  }
0x9: {  	s0 =	sand.u32 $0x1, s0;
	s3 =	sshll.u32 s6, $0x1;
	s6 =	smul.u32 $0x32000, s6  }
0xa: {  	s3 =	sor.u32 s0, s3;
	s7 =	ssub.s32 $0x2, s0;
	s0 =	smul.u32 $0x19000, s0  }
0xb: {  	s5 =	smul.u32 $0x500, s3;
	s3 =	simm.s32 $0x0;
	s8 =	sshrl.u32 s7, $0x1  }
0xc: {  	s4 =	sadd.s32 s6, s4;
	s6 =	simm.s32 $0x11;
	[smem:$0x7FF] =	sst s3  }
0xd: {  	s25 =	ssub.s32 s7, s8;
	s0 =	sadd.s32 s0, s4;
	s8 =	simm.s32 $0x50  }
.Ltmp0:
0xe: {  	s4 =	simm.s32 $0x10;
	_ =	strace $0x80000047;
	(pc) =	sbr.rel .LBB2_1-.Ltmp0, $4  }
0xf: {  	s1 =	sadd.s32 s5, s1;
	s26 =	smax.u32 s25, $0x1;
	s0 =	sadd.s32 $0x1900, s0  }
0x10: {  	s25 =	simm.s32 $0x16800;
	s5 =	simm.s32 $0xA;
	[dreg:$0x5] =	wrdreg s26  }
0x11: {  	s1 =	sadd.s32 $0x400, s1;
	[dreg:$0x6] =	wrdreg s0;
	s26 =	simm.s32 $0x3  }
0x12: {  	s0 =	simm.s32 $0x6;
	[dreg:$0x4] =	wrdreg s1;
	s1 =	simm.s32 $0xC  }
.LBB2_4:
0x13: {  	s7 =	simm.s32 $0x12  }
0x14: {  	_ =	swait.ge [sflag:s7], $0x2800  }
0x15: {  	[sflag:s7] =	ssyncset.done $0x0  }
0x16: {  	s17 =	simm.s32 $0x13;
	[sflag:s7] =	ssyncadd.s32 $0xFFFFD800  }
0x17: {  	_ =	swait.ge [sflag:s17], $0x2800  }
0x18: {  	[sflag:s17] =	ssyncset.done $0x0  }
0x19: {  	s9 =	simm.s32 $0x14;
	[sflag:s17] =	ssyncadd.s32 $0xFFFFD800  }
0x1a: {  	_ =	swait.ge [sflag:s9], $0x2800  }
0x1b: {  	s11 =	rddreg [dreg:$0x7]  }
0x1c: {  	s19 =	rddreg [dreg:$0x5];
	s11 =	sadd.s32 $0x1, s11  }
0x1d: {  	p0 =	sne.s32 s11, s19  }
.Ltmp1:
0x1e: {  	_ = 	snop;
	(pc) =	sbr.rel @!p0 .LBB2_5-.Ltmp1, $3  }
0x1f: {  	_ =	sdelay $0x1  }
0x20: {  	[sflag:s9] =	ssyncset.done $0x0  }
0x21: {  	[sflag:s9] =	ssyncadd.s32 $0xFFFFD800  }
.LBB2_1:
0x22: {  	[dreg:$0x7] =	wrdreg s11  }
0x23: {  	s7 =	rddreg [dreg:$0x4];
	s19 =	simm.s32 $0x15  }
0x24: {  	[tilespmem:s3], [sflag:$0x15] =	stream.linear.gather [hbm4b:s7+s3], $0x2800, $0x38;
	[tilespmem:$0x1B800] =	vst v63  }
0x25: {  	_ =	swait.ge [sflag:s19], $0x2800  }
0x26: {  	[sflag:s19] =	ssyncset.done $0x0  }
0x27: {  	s9 =	simm.s32 $0x2800;
	[sflag:s19] =	ssyncadd.s32 $0xFFFFD800  }
0x28: {  	[tilespmem:s9], [sflag:$0x1] =	stream.indirect.gather [hbm4b:s2+s8], $0x80, s3, s8, $0xb8;
	[tilespmem:$0x1B800] =	vst v63  }
0x29: {  	s11 =	simm.s32 $0x80;
	s9 =	simm.s32 $0x5000  }
0x2a: {  	[tilespmem:s9], [sflag:$0x2] =	stream.indirect.gather [hbm4b:s2+s8], $0x80, s11, s8, $0xb8;
	[tilespmem:$0x1B800] =	vst v63  }
0x2b: {  	s13 =	simm.s32 $0x100;
	s15 =	simm.s32 $0x7800  }
0x2c: {  	[tilespmem:s15], [sflag:$0x3] =	stream.indirect.gather [hbm4b:s2+s8], $0x80, s13, s8, $0xb8;
	[tilespmem:$0x1B800] =	vst v63  }
0x2d: {  	s17 =	simm.s32 $0x180;
	s19 =	simm.s32 $0xA000  }
0x2e: {  	[tilespmem:s19], [sflag:$0x4] =	stream.indirect.gather [hbm4b:s2+s8], $0x80, s17, s8, $0xb8;
	[tilespmem:$0x1B800] =	vst v63  }
0x2f: {  	s11 =	simm.s32 $0x200;
	s13 =	simm.s32 $0xC800  }
0x30: {  	[tilespmem:s13], [sflag:$0x5] =	stream.indirect.gather [hbm4b:s2+s8], $0x80, s11, s8, $0xb8;
	[tilespmem:$0x1B800] =	vst v63  }
0x31: {  	s15 =	simm.s32 $0x280;
	s17 =	simm.s32 $0xF000  }
0x32: {  	[tilespmem:s17], [sflag:$0x6] =	stream.indirect.gather [hbm4b:s2+s8], $0x80, s15, s8, $0xb8;
	[tilespmem:$0x1B800] =	vst v63  }
0x33: {  	s7 =	rddreg [dreg:$0x6];
	s9 =	simm.s32 $0x0;
	s19 =	simm.s32 $0x300  }
0x34: {  	[tilespmem:s21], [sflag:$0x7] =	stream.indirect.gather [hbm4b:s2+s8], $0x80, s19, s8, $0xb8;
	[tilespmem:$0x1B800] =	vst v63  }
.LBB2_2:
0x35: {  	_ =	swait.ge [sflag:s22], $0x2800  }
0x36: {  	s11 =	sadd.s32 $0xFFFFE700, s7;
	[sflag:s22] =	ssyncset.done $0x0  }
0x37: {  	s13 =	simm.s32 $0x2800;
	p0 =	seq.s32 s9, $0x0;
	[sflag:s22] =	ssyncadd.s32 $0xFFFFD800  }
0x38: {  	[hbm4b:s11+s3] =	stream.linear.scatter [tilespmem:s13], [sflag:$0xB], $0x2800, $0x38;
	[tilespmem:$0x1B800] =	vst v63  }
0x39: {  	s13 =	simm.s32 @!p0 $0x12  }
0x3a: {  	_ =	swait.ge @!p0 [sflag:s13], $0x2800  }
0x3b: {  	s11 =	sshra.s32 s9, $0x2;
	[sflag:s13] =	ssyncset.done @!p0 $0x0  }
0x3c: {  	s15 =	sadd.s32 $0x380, s11;
	[sflag:s13] =	ssyncadd.s32 @!p0 $0xFFFFD800  }
0x3d: {  	[tilespmem:s23], [sflag:$0x8] =	stream.indirect.gather [hbm4b:s2+s8], $0x80, s15, s8, $0xb8;
	[tilespmem:$0x1B800] =	vst v63  }
0x3e: {  	_ =	swait.ge [sflag:s24], $0x2800  }
0x3f: {  	s17 =	sadd.s32 $0xFFFFEC00, s7;
	[sflag:s24] =	ssyncset.done $0x0  }
0x40: {  	s13 =	simm.s32 @!p0 $0x13;
	s15 =	simm.s32 $0x5000;
	[sflag:s24] =	ssyncadd.s32 $0xFFFFD800  }
0x41: {  	[hbm4b:s17+s3] =	stream.linear.scatter [tilespmem:s15], [sflag:$0xC], $0x2800, $0x38;
	[tilespmem:$0x1B800] =	vst v63  }
0x42: {  	_ =	swait.ge @!p0 [sflag:s13], $0x2800  }
0x43: {  	[sflag:s13] =	ssyncset.done @!p0 $0x0  }
0x44: {  	s19 =	sadd.s32 $0x400, s11;
	[sflag:s13] =	ssyncadd.s32 @!p0 $0xFFFFD800  }
0x45: {  	[tilespmem:s25], [sflag:$0x9] =	stream.indirect.gather [hbm4b:s2+s8], $0x80, s19, s8, $0xb8;
	[tilespmem:$0x1B800] =	vst v63  }
0x46: {  	_ =	swait.ge [sflag:s26], $0x2800  }
0x47: {  	s15 =	sadd.s32 $0xFFFFF100, s7;
	[sflag:s26] =	ssyncset.done $0x0  }
0x48: {  	s17 =	simm.s32 $0x7800;
	s13 =	simm.s32 @!p0 $0x14;
	[sflag:s26] =	ssyncadd.s32 $0xFFFFD800  }
0x49: {  	[hbm4b:s15+s3] =	stream.linear.scatter [tilespmem:s17], [sflag:$0xD], $0x2800, $0x38;
	[tilespmem:$0x1B800] =	vst v63  }
0x4a: {  	_ =	swait.ge @!p0 [sflag:s13], $0x2800  }
0x4b: {  	[sflag:s13] =	ssyncset.done @!p0 $0x0  }
0x4c: {  	s19 =	sadd.s32 $0x480, s11;
	[sflag:s13] =	ssyncadd.s32 @!p0 $0xFFFFD800  }
0x4d: {  	[tilespmem:s28], [sflag:$0xA] =	stream.indirect.gather [hbm4b:s2+s8], $0x80, s19, s8, $0xb8;
	[tilespmem:$0x1B800] =	vst v63  }
0x4e: {  	_ =	swait.ge [sflag:s29], $0x2800  }
0x4f: {  	[sflag:s29] =	ssyncset.done $0x0  }
0x50: {  	s15 =	sadd.s32 $0xFFFFF600, s7;
	s17 =	simm.s32 $0xA000;
	[sflag:s29] =	ssyncadd.s32 $0xFFFFD800  }
0x51: {  	[hbm4b:s15+s3] =	stream.linear.scatter [tilespmem:s17], [sflag:$0xE], $0x2800, $0x38;
	[tilespmem:$0x1B800] =	vst v63  }
0x52: {  	p0 =	seq.s32 s9, $0x8C00;
	_ =	swait.ge [sflag:s30], $0x2800  }
0x53: {  	s13 =	sshra.s32 @!p0 s9, $0x2;
	s19 =	simm.s32 @!p0 $0x2800;
	[sflag:s30] =	ssyncset.done $0x0  }
0x54: {  	s15 =	sadd.s32 @!p0 $0x500, s13;
	s17 =	simm.s32 @!p0 $0x50;
	[sflag:s30] =	ssyncadd.s32 $0xFFFFD800  }
0x55: {  	[tilespmem:s19], [sflag:$0x1] =	stream.indirect.gather @!p0 [hbm4b:s2+s17], $0x80, s15, s17, $0xb8;
	[tilespmem:$0x1B800] =	vst v63  }
0x56: {  	_ =	swait.ge [sflag:s31], $0x2800  }
0x57: {  	[sflag:s31] =	ssyncset.done $0x0  }
0x58: {  	s15 =	sadd.s32 $0xFFFFFB00, s7;
	s19 =	simm.s32 $0xC800;
	[sflag:s31] =	ssyncadd.s32 $0xFFFFD800  }
0x59: {  	[hbm4b:s15+s3] =	stream.linear.scatter [tilespmem:s19], [sflag:$0xF], $0x2800, $0x38;
	[tilespmem:$0x1B800] =	vst v63  }
0x5a: {  	_ =	swait.ge [sflag:s1], $0x2800  }
0x5b: {  	[sflag:s1] =	ssyncset.done $0x0  }
0x5c: {  	s15 =	sadd.s32 @!p0 $0x580, s13;
	s19 =	simm.s32 @!p0 $0x5000;
	[sflag:s1] =	ssyncadd.s32 $0xFFFFD800  }
0x5d: {  	[tilespmem:s19], [sflag:$0x2] =	stream.indirect.gather @!p0 [hbm4b:s2+s17], $0x80, s15, s17, $0xb8;
	[tilespmem:$0x1B800] =	vst v63  }
0x5e: {  	_ =	swait.ge [sflag:s0], $0x2800  }
0x5f: {  	[sflag:s0] =	ssyncset.done $0x0  }
0x60: {  	s19 =	simm.s32 $0xF000;
	[sflag:s0] =	ssyncadd.s32 $0xFFFFD800  }
0x61: {  	[hbm4b:s7+s3] =	stream.linear.scatter [tilespmem:s19], [sflag:$0x10], $0x2800, $0x38;
	[tilespmem:$0x1B800] =	vst v63  }
0x62: {  	_ =	swait.ge [sflag:s10], $0x2800  }
0x63: {  	[sflag:s10] =	ssyncset.done $0x0  }
0x64: {  	s15 =	sadd.s32 @!p0 $0x600, s13;
	s19 =	simm.s32 @!p0 $0x7800;
	[sflag:s10] =	ssyncadd.s32 $0xFFFFD800  }
0x65: {  	[tilespmem:s19], [sflag:$0x3] =	stream.indirect.gather @!p0 [hbm4b:s2+s17], $0x80, s15, s17, $0xb8;
	[tilespmem:$0x1B800] =	vst v63  }
0x66: {  	_ =	swait.ge [sflag:s12], $0x2800  }
0x67: {  	[sflag:s12] =	ssyncset.done $0x0  }
0x68: {  	s19 =	sadd.s32 $0x500, s7;
	[sflag:s12] =	ssyncadd.s32 $0xFFFFD800  }
0x69: {  	[hbm4b:s19+s3] =	stream.linear.scatter [tilespmem:s21], [sflag:$0x11], $0x2800, $0x38;
	[tilespmem:$0x1B800] =	vst v63  }
0x6a: {  	_ =	swait.ge [sflag:s14], $0x2800  }
0x6b: {  	[sflag:s14] =	ssyncset.done $0x0  }
0x6c: {  	s15 =	sadd.s32 @!p0 $0x680, s13;
	s19 =	simm.s32 @!p0 $0xA000;
	[sflag:s14] =	ssyncadd.s32 $0xFFFFD800  }
0x6d: {  	[tilespmem:s19], [sflag:$0x4] =	stream.indirect.gather @!p0 [hbm4b:s2+s17], $0x80, s15, s17, $0xb8;
	[tilespmem:$0x1B800] =	vst v63  }
0x6e: {  	_ =	swait.ge [sflag:s16], $0x2800  }
0x6f: {  	[sflag:s16] =	ssyncset.done $0x0  }
0x70: {  	s19 =	sadd.s32 $0xA00, s7;
	[sflag:s16] =	ssyncadd.s32 $0xFFFFD800  }
0x71: {  	[hbm4b:s19+s3] =	stream.linear.scatter [tilespmem:s23], [sflag:$0x12], $0x2800, $0x38;
	[tilespmem:$0x1B800] =	vst v63  }
0x72: {  	_ =	swait.ge [sflag:s18], $0x2800  }
0x73: {  	[sflag:s18] =	ssyncset.done $0x0  }
0x74: {  	s15 =	sadd.s32 @!p0 $0x700, s13;
	s19 =	simm.s32 @!p0 $0xC800;
	[sflag:s18] =	ssyncadd.s32 $0xFFFFD800  }
0x75: {  	[tilespmem:s19], [sflag:$0x5] =	stream.indirect.gather @!p0 [hbm4b:s2+s17], $0x80, s15, s17, $0xb8;
	[tilespmem:$0x1B800] =	vst v63  }
0x76: {  	_ =	swait.ge [sflag:s20], $0x2800  }
0x77: {  	[sflag:s20] =	ssyncset.done $0x0  }
0x78: {  	s19 =	sadd.s32 $0xF00, s7;
	[sflag:s20] =	ssyncadd.s32 $0xFFFFD800  }
0x79: {  	[hbm4b:s19+s3] =	stream.linear.scatter [tilespmem:s25], [sflag:$0x13], $0x2800, $0x38;
	[tilespmem:$0x1B800] =	vst v63  }
0x7a: {  	_ =	swait.ge [sflag:s4], $0x2800  }
0x7b: {  	[sflag:s4] =	ssyncset.done $0x0  }
0x7c: {  	s13 =	sadd.s32 @!p0 $0x780, s13;
	s15 =	simm.s32 @!p0 $0xF000;
	[sflag:s4] =	ssyncadd.s32 $0xFFFFD800  }
0x7d: {  	[tilespmem:s15], [sflag:$0x6] =	stream.indirect.gather @!p0 [hbm4b:s2+s17], $0x80, s13, s17, $0xb8;
	[tilespmem:$0x1B800] =	vst v63  }
0x7e: {  	_ =	swait.ge [sflag:s5], $0x2800  }
0x7f: {  	[sflag:s5] =	ssyncset.done $0x0  }
.Ltmp2:
0x80: {  	s19 =	sadd.s32 $0x1400, s7;
	[sflag:s5] =	ssyncadd.s32 $0xFFFFD800;
	(pc) =	sbr.rel @p0 .LBB2_4-.Ltmp2, $4  }
0x81: {  	[hbm4b:s19+s3] =	stream.linear.scatter [tilespmem:s28], [sflag:$0x14], $0x2800, $0x38;
	[tilespmem:$0x1B800] =	vst v63  }
0x82: {  	_ =	swait.ge [sflag:s6], $0x2800  }
0x83: {  	[sflag:s6] =	ssyncset.done $0x0  }
0x84: {  	[sflag:s6] =	ssyncadd.s32 $0xFFFFD800  }
.Ltmp3:
0x85: {  	(pc) =	sbr.rel .LBB2_2-.Ltmp3, $3  }
0x86: {  	_ =	sdelay $0x1  }
0x87: {  	s11 =	sadd.s32 $0x800, s11;
	s9 =	sadd.s32 $0x1400, s9;
	s7 =	sadd.s32 $0x3200, s7  }
0x88: {  	[tilespmem:s21], [sflag:$0x7] =	stream.indirect.gather [hbm4b:s2+s8], $0x80, s11, s8, $0xb8;
	[tilespmem:$0x1B800] =	vst v63  }
.LBB2_5:
0x89: {  	_ =	sfence.sel $0x180000  }
0x8a: {  	[bflag:$0x0] =	sbarrier.arrive $0xFFFF  }
0x8b: {  	_ =	strace $0x90000047  }
0x8c: {  	s0 =	stileid.u32;
	[bflag:$0x2] =	sbarrier.arrive $0xFFFF  }
0x8d: {  	p0 =	sne.s32 s0, $0x0;
	s0 =	rddreg [dreg:$0x3]  }
0x8e: {  	s0 =	sadd.s32 @!p0 $0x100000, s0  }
0x8f: {  	[sflag:s0] =	ssyncadd.tile.s32 @!p0 $0x1;
	_ =	shalt  }
.Lfunc_end2:
_tile_overlayer_lowered:
.L_overlay_start_2:
0x90: {  	(tag) =	ssettag $0x2  }
0x91: {  	s0 =	rddreg [dreg:$0x0];
	s2 =	stileid.u32  }
0x92: {  	s1 =	rddreg [dreg:$0x1];
	p0 =	sne.s32 s2, $0x0  }
0x93: {  	s3 =	rddreg [dreg:$0x2];
	[bflag:$0x3] =	sbarrier.arrive $0xFFFF;
	s2 =	simm.s32 @!p0 $0x1C15  }
0x94: {  	[timem:s3], [sflag:s2] =	dma.local @!p0 [hbm:s0], s1  }
0x95: {  	s0 =	simm.s32 @!p0 $0x15  }
0x96: {  	_ =	swait.ge @!p0 [sflag:s0], s1  }
0x97: {  	s1 =	ssub.s32 @!p0 $0x0, s1;
	[sflag:s0] =	ssyncset.done @!p0 $0x0  }
0x98: {  	[sflag:s0] =	ssyncadd.s32 @!p0 s1  }
0x99: {  	[bflag:$0x3] =	sbarrier.arrive $0xFFFF  }
0x9a: {  	_ =	shalt  }

</sc_bundles>
